<compile_context>
chip_gen: v7x
topology: tpu7x:2x2x1
jax: 0.10.2.dev20260603
libtpu: 0.0.44.dev20260713+nightly
codegen_flags: <defaults>
</compile_context>

<pallas_src>
import functools
import math

import jax
import jax.numpy as jnp
from jax import lax
from jax.experimental import pallas as pl
from jax.experimental.pallas import tpu as pltpu
from jax.experimental.pallas import tpu_sc as plsc

_W_ORI = 1285
_H_ORI = 438
_FARO_V = 123.5
_FARO_H = 360.0
_CROP = 384

_N = 128 * 128
_SPLIT = 15872
_TA = 512
_TB = 2048
_NI = _SPLIT // _TA
_NJ = _N // _TB
_K = 8

_NW = 32
_L = 16


def _directions(h, w, sh, sw):
    fv = _FARO_V * _CROP / _H_ORI
    fh = _FARO_H * _CROP / _W_ORI
    cw_rad = sw / _W_ORI * _FARO_H
    ch_rad = sh / _H_ORI * _FARO_V
    p, q = jnp.meshgrid(jnp.arange(h), jnp.arange(w), indexing="ij")
    points_hw = jnp.stack([p, q], axis=-1).reshape(-1, 2).astype(jnp.float32)
    yaw = (-fh * points_hw[:, 1] / w + cw_rad) * (math.pi / 180.0)
    pitch = (-fv * points_hw[:, 0] / h + ch_rad) * (math.pi / 180.0)
    ux = jnp.sin(yaw) * jnp.sin(pitch)
    uy = jnp.cos(yaw) * jnp.sin(pitch)
    uz = jnp.cos(pitch)
    return ux, uy, uz


def _chamfer_body(a_ref, p2_ref, b_ref, q2_ref, d2_ref, s1_ref):
    i = pl.program_id(0)

    @pl.when(i == 0)
    def _init():
        d2_ref[...] = jnp.full((1, _N), jnp.inf, jnp.float32)
        s1_ref[0] = 0.0

    a_blk = a_ref[...]
    p2_blk = p2_ref[...]

    rowmin = jnp.full((_TA, 1), jnp.inf, jnp.float32)
    for j in range(_NJ):
        cols = pl.ds(j * _TB, _TB)
        ab2 = jax.lax.dot_general(
            a_blk, b_ref[:, cols],
            (((1,), (0,)), ((), ())),
            preferred_element_type=jnp.float32)
        rowmin = jnp.minimum(
            rowmin, jnp.min(ab2 + q2_ref[:, cols], axis=1, keepdims=True))
        d2_ref[:, cols] = jnp.minimum(
            d2_ref[:, cols], jnp.min(ab2 + p2_blk, axis=0, keepdims=True))
    s1_ref[0] += jnp.sum(rowmin + p2_blk)


def _tc_chamfer_call(a_mat, p2_col, b_mat, q2_row):
    return pl.pallas_call(
        _chamfer_body,
        grid=(_NI,),
        in_specs=[
            pl.BlockSpec((_TA, _K), lambda i: (i, 0)),
            pl.BlockSpec((_TA, 1), lambda i: (i, 0)),
            pl.BlockSpec((_K, _N), lambda i: (0, 0)),
            pl.BlockSpec((1, _N), lambda i: (0, 0)),
        ],
        out_specs=[
            pl.BlockSpec((1, _N), lambda i: (0, 0)),
            pl.BlockSpec(memory_space=pltpu.SMEM),
        ],
        out_shape=[
            jax.ShapeDtypeStruct((1, _N), jnp.float32),
            jax.ShapeDtypeStruct((1,), jnp.float32),
        ],
    )(a_mat, p2_col, b_mat, q2_row)


def _sc_chamfer_call(ax, ay, az, p2, bx, by, bz, q2):
    rw = ax.shape[0] // _NW
    mesh = plsc.VectorSubcoreMesh(core_axis_name="c", subcore_axis_name="s")

    @functools.partial(
        pl.kernel, mesh=mesh,
        out_type=[jax.ShapeDtypeStruct((_NW, _L), jnp.float32),
                  jax.ShapeDtypeStruct((_NW, _N), jnp.float32)],
        scratch_types=[
            pltpu.VMEM((rw,), jnp.float32),
            pltpu.VMEM((rw,), jnp.float32),
            pltpu.VMEM((rw,), jnp.float32),
            pltpu.VMEM((rw,), jnp.float32),
            pltpu.VMEM((_N,), jnp.float32),
            pltpu.VMEM((_N,), jnp.float32),
            pltpu.VMEM((_N,), jnp.float32),
            pltpu.VMEM((_N,), jnp.float32),
            pltpu.VMEM((_L,), jnp.float32),
            pltpu.VMEM((_N,), jnp.float32),
        ],
    )
    def sc_chamfer(ax_h, ay_h, az_h, p2_h, bx_h, by_h, bz_h, q2_h,
                   sum_out, d2_out,
                   axv, ayv, azv, p2v, bxv, byv, bzv, q2v, sumv, d2v):
        wid = lax.axis_index("s") * 2 + lax.axis_index("c")
        base = wid * rw
        pltpu.sync_copy(ax_h.at[pl.ds(base, rw)], axv)
        pltpu.sync_copy(ay_h.at[pl.ds(base, rw)], ayv)
        pltpu.sync_copy(az_h.at[pl.ds(base, rw)], azv)
        pltpu.sync_copy(p2_h.at[pl.ds(base, rw)], p2v)
        pltpu.sync_copy(bx_h, bxv)
        pltpu.sync_copy(by_h, byv)
        pltpu.sync_copy(bz_h, bzv)
        pltpu.sync_copy(q2_h, q2v)

        def row_group(ig, sacc):
            rows = pl.ds(ig * _L, _L)
            pxg = axv[rows]
            pyg = ayv[rows]
            pzg = azv[rows]
            p2g = p2v[rows]

            def jstep(j, rm):
                grp = pl.ds(j * _L, _L)
                bxg = bxv[grp]
                byg = byv[grp]
                bzg = bzv[grp]
                q2g = q2v[grp]
                for u in range(_L):
                    ab2 = (pxg * bxg[u] + pyg * byg[u]) + pzg * bzg[u]
                    rm = jnp.minimum(rm, ab2 + q2g[u])
                return rm

            rm = lax.fori_loop(0, _N // _L, jstep,
                               jnp.full((_L,), jnp.inf, jnp.float32))
            return sacc + (p2g + rm)

        sumv[...] = lax.fori_loop(0, rw // _L, row_group,
                                  jnp.zeros((_L,), jnp.float32))
        pltpu.sync_copy(sumv, sum_out.at[wid])

        def col_group(jg, carry):
            cols = pl.ds(jg * _L, _L)
            qxg = bxv[cols]
            qyg = byv[cols]
            qzg = bzv[cols]

            def istep(i, dm):
                grp = pl.ds(i * _L, _L)
                axg = axv[grp]
                ayg = ayv[grp]
                azg = azv[grp]
                p2g = p2v[grp]
                for u in range(_L):
                    ab2 = (qxg * axg[u] + qyg * ayg[u]) + qzg * azg[u]
                    dm = jnp.minimum(dm, ab2 + p2g[u])
                return dm

            dm = lax.fori_loop(0, rw // _L, istep,
                               jnp.full((_L,), jnp.inf, jnp.float32))
            d2v[cols] = dm
            return carry

        lax.fori_loop(0, _N // _L, col_group, 0)
        pltpu.sync_copy(d2v, d2_out.at[wid])

    return sc_chamfer(ax, ay, az, p2, bx, by, bz, q2)


def kernel(fake, tar, sh, sw):
    b, _, h, w = fake.shape
    ux, uy, uz = _directions(h, w, sh, sw)
    dp = tar[b - 1, 0].reshape(-1)
    dq = fake[b - 1, 0].reshape(-1)

    px, py, pz = dp * ux, dp * uy, dp * uz
    qx, qy, qz = dq * ux, dq * uy, dq * uz
    p2 = px * px + py * py + pz * pz
    q2 = qx * qx + qy * qy + qz * qz
    m2 = jnp.float32(-2.0)
    ax, ay, az = m2 * px, m2 * py, m2 * pz
    zero = jnp.zeros((_N,), jnp.float32)
    a_mat = jnp.stack([ax, ay, az, zero, zero, zero, zero, zero],
                      axis=1).astype(jnp.bfloat16)
    b_mat = jnp.stack([qx, qy, qz, zero, zero, zero, zero, zero],
                      axis=0).astype(jnp.bfloat16)

    def _bf(x):
        return lax.reduce_precision(x, 8, 7)

    sc_sum, sc_d2 = _sc_chamfer_call(
        _bf(ax[_SPLIT:]), _bf(ay[_SPLIT:]), _bf(az[_SPLIT:]), p2[_SPLIT:],
        _bf(qx), _bf(qy), _bf(qz), q2)
    tc_d2, tc_s1 = _tc_chamfer_call(
        a_mat[:_SPLIT], p2[:_SPLIT].reshape(_SPLIT, 1),
        b_mat, q2.reshape(1, _N))

    d2 = jnp.minimum(tc_d2[0], jnp.min(sc_d2, axis=0))
    loss = (tc_s1[0] + jnp.sum(sc_sum) + jnp.sum(d2 + q2)) / float(_N)
    return loss

# --- scband reference (transcript-rebuilt; emitter-appended) ---
"""Pipeline reference for scband-chamfer-loss-10368051052748 (READ-ONLY COPY).

The authoritative reference and input builder live on the scoring server;
editing this copy changes nothing except your own understanding.
"""

import jax, jax.numpy as jnp
import numpy as np
import math

W_ORI = 1285
H_ORI = 438
FARO_RANGE_V_ORI = 123.5
FARO_RANGE_H_ORI = 360.0
CROP_H = 384
CROP_W = 384


def cal_offset(sh, sw):
    CropW_rad = sw / W_ORI * FARO_RANGE_H_ORI
    CropH_rad = sh / H_ORI * FARO_RANGE_V_ORI
    FARO_RANGE_V_Crop = FARO_RANGE_V_ORI * CROP_H / H_ORI
    FARO_RANGE_H_Crop = FARO_RANGE_H_ORI * CROP_W / W_ORI
    return FARO_RANGE_V_Crop, FARO_RANGE_H_Crop, CropW_rad, CropH_rad


def transform(x, sh, sw):
    # x: (b, 1, h, w) depth image -> (1, h*w, 3) point cloud.
    # NOTE: the original torch loop overwrites XYZ each iteration and only
    # concatenates once after the loop, so only the LAST batch element's
    # point cloud survives. We reproduce that faithfully.
    x = jnp.squeeze(x, axis=1)  # (b, h, w)
    b, h, w = x.shape
    xf = x.reshape(b, -1)
    fv, fh, cw_rad, ch_rad = cal_offset(sh, sw)
    p, q = jnp.meshgrid(jnp.arange(h), jnp.arange(w), indexing='ij')
    points_hw = jnp.stack([p, q], axis=-1).reshape(-1, 2).astype(jnp.float32)
    yaw_deg = -fh * points_hw[:, 1] / w + cw_rad
    pitch_deg = -fv * points_hw[:, 0] / h + ch_rad
    yaw = yaw_deg * math.pi / 180.0
    pitch = pitch_deg * math.pi / 180.0
    xz = xf[b - 1]  # last iteration of the loop
    X = xz * jnp.sin(yaw) * jnp.sin(pitch)
    Y = xz * jnp.cos(yaw) * jnp.sin(pitch)
    Z = xz * jnp.cos(pitch)
    XYZ = jnp.stack([X, Y, Z], axis=0).T  # (N, 3)
    return XYZ[None, ...]  # (1, N, 3)


def _min_sqdist(a, b, chunks=16):
    # a: (N, 3), b: (M, 3) -> (N,) min squared distance to b, chunked to
    # keep the (chunk, M) distance matrix small in memory.
    b2 = jnp.sum(b * b, axis=-1)

    def f(ac):
        d = jnp.sum(ac * ac, axis=-1, keepdims=True) - 2.0 * (ac @ b.T) + b2[None, :]
        return jnp.min(d, axis=-1)

    N = a.shape[0]
    acs = a.reshape(chunks, N // chunks, 3)
    return jax.lax.map(f, acs).reshape(-1)


def chamfer_distance(p, q):
    # p, q: (1, N, 3)
    dist1 = _min_sqdist(p[0], q[0])
    dist2 = _min_sqdist(q[0], p[0])
    return dist1, dist2


def setup_inputs(seed: int = 0) -> dict:
    key = jax.random.key(seed)
    k1, k2 = jax.random.split(key)
    fake = jax.random.uniform(k1, (4, 1, 128, 128), dtype=jnp.float32)
    tar = jax.random.uniform(k2, (4, 1, 128, 128), dtype=jnp.float32)
    return {"fake": fake, "tar": tar, "sh": 30, "sw": 400}


def reference(fake, tar, sh, sw):
    points = transform(tar, sh, sw)
    points_reconstructed = transform(fake, sh, sw)
    dist1, dist2 = chamfer_distance(points, points_reconstructed)
    loss = jnp.mean(dist1) + jnp.mean(dist2)
    return loss

if __name__ == "__main__":
    import jax
    _d = setup_inputs()
    print(jax.jit(kernel)(*tuple(_d.values())))

</pallas_src>

<mosaic_0001>
#map = affine_map<(d0, d1) -> (0)>
#map1 = affine_map<(d0, d1) -> (0, 0)>
module attributes {stable_mosaic.version = 14 : i64} {
  func.func @sc_chamfer(%arg0: i32, %arg1: i32, %arg2: memref<512xf32, #tpu.memory_space<hbm>>, %arg3: memref<512xf32, #tpu.memory_space<hbm>>, %arg4: memref<512xf32, #tpu.memory_space<hbm>>, %arg5: memref<512xf32, #tpu.memory_space<hbm>>, %arg6: memref<16384xf32, #tpu.memory_space<hbm>>, %arg7: memref<16384xf32, #tpu.memory_space<hbm>>, %arg8: memref<16384xf32, #tpu.memory_space<hbm>>, %arg9: memref<16384xf32, #tpu.memory_space<hbm>>, %arg10: memref<32x16xf32, #tpu.memory_space<hbm>>, %arg11: memref<32x16384xf32, #tpu.memory_space<hbm>>, %arg12: memref<16xf32, #tpu.memory_space<vmem>>, %arg13: memref<16xf32, #tpu.memory_space<vmem>>, %arg14: memref<16xf32, #tpu.memory_space<vmem>>, %arg15: memref<16xf32, #tpu.memory_space<vmem>>, %arg16: memref<16384xf32, #tpu.memory_space<vmem>>, %arg17: memref<16384xf32, #tpu.memory_space<vmem>>, %arg18: memref<16384xf32, #tpu.memory_space<vmem>>, %arg19: memref<16384xf32, #tpu.memory_space<vmem>>, %arg20: memref<16xf32, #tpu.memory_space<vmem>>, %arg21: memref<16384xf32, #tpu.memory_space<vmem>>) attributes {dimension_semantics = [#tpu.dimension_semantics<core_parallel>, #tpu.dimension_semantics<subcore_parallel>], iteration_bounds = array<i64: 2, 16>, scalar_prefetch = 0 : i64, scratch_operands = 10 : i64, tpu.core_type = #tpu.core_type<sc_vector_subcore>, window_params = [{transform_indices = #map}, {transform_indices = #map}, {transform_indices = #map}, {transform_indices = #map}, {transform_indices = #map}, {transform_indices = #map}, {transform_indices = #map}, {transform_indices = #map}, {transform_indices = #map1}, {transform_indices = #map1}]} {
    %mul3A = arith.constant 2 : i32
    %mul3A_0 = arith.muli %arg1, %mul3A : i32
    %add3A = arith.addi %mul3A_0, %arg0 : i32
    %mul3A_1 = arith.constant 16 : i32
    %mul3A_2 = arith.muli %add3A, %mul3A_1 : i32
    "tpu.region"() ({
      %run_scoped3A = tpu.sem_alloc : memref<!tpu.dma_semaphore, #tpu.memory_space<semaphore_mem>>
      %dma_start3A = tpu.memref_slice %arg2[%mul3A_2] : memref<512xf32, #tpu.memory_space<hbm>> -> memref<16xf32, #tpu.memory_space<hbm>>
      %dma_start3A_37 = tpu.memref_slice %arg2[%mul3A_2] : memref<512xf32, #tpu.memory_space<hbm>> -> memref<16xf32, #tpu.memory_space<hbm>>
      tpu.enqueue_dma source(%dma_start3A_37 : memref<16xf32, #tpu.memory_space<hbm>>) target(%arg12 : memref<16xf32, #tpu.memory_space<vmem>>) target_semaphore(%run_scoped3A : memref<!tpu.dma_semaphore, #tpu.memory_space<semaphore_mem>>)
      %dma_wait3A = tpu.memref_slice %arg2[%mul3A_2] : memref<512xf32, #tpu.memory_space<hbm>> -> memref<16xf32, #tpu.memory_space<hbm>>
      %dma_wait3A_38 = tpu.memref_slice %arg2[%mul3A_2] : memref<512xf32, #tpu.memory_space<hbm>> -> memref<16xf32, #tpu.memory_space<hbm>>
      tpu.wait_dma2 semaphore(%run_scoped3A : memref<!tpu.dma_semaphore, #tpu.memory_space<semaphore_mem>>) src(%dma_wait3A_38 : memref<16xf32, #tpu.memory_space<hbm>>) dst(%arg12 : memref<16xf32, #tpu.memory_space<vmem>>)
      tpu.yield
    }) : () -> ()
    "tpu.region"() ({
      %run_scoped3A = tpu.sem_alloc : memref<!tpu.dma_semaphore, #tpu.memory_space<semaphore_mem>>
      %dma_start3A = tpu.memref_slice %arg3[%mul3A_2] : memref<512xf32, #tpu.memory_space<hbm>> -> memref<16xf32, #tpu.memory_space<hbm>>
      %dma_start3A_37 = tpu.memref_slice %arg3[%mul3A_2] : memref<512xf32, #tpu.memory_space<hbm>> -> memref<16xf32, #tpu.memory_space<hbm>>
      tpu.enqueue_dma source(%dma_start3A_37 : memref<16xf32, #tpu.memory_space<hbm>>) target(%arg13 : memref<16xf32, #tpu.memory_space<vmem>>) target_semaphore(%run_scoped3A : memref<!tpu.dma_semaphore, #tpu.memory_space<semaphore_mem>>)
      %dma_wait3A = tpu.memref_slice %arg3[%mul3A_2] : memref<512xf32, #tpu.memory_space<hbm>> -> memref<16xf32, #tpu.memory_space<hbm>>
      %dma_wait3A_38 = tpu.memref_slice %arg3[%mul3A_2] : memref<512xf32, #tpu.memory_space<hbm>> -> memref<16xf32, #tpu.memory_space<hbm>>
      tpu.wait_dma2 semaphore(%run_scoped3A : memref<!tpu.dma_semaphore, #tpu.memory_space<semaphore_mem>>) src(%dma_wait3A_38 : memref<16xf32, #tpu.memory_space<hbm>>) dst(%arg13 : memref<16xf32, #tpu.memory_space<vmem>>)
      tpu.yield
    }) : () -> ()
    "tpu.region"() ({
      %run_scoped3A = tpu.sem_alloc : memref<!tpu.dma_semaphore, #tpu.memory_space<semaphore_mem>>
      %dma_start3A = tpu.memref_slice %arg4[%mul3A_2] : memref<512xf32, #tpu.memory_space<hbm>> -> memref<16xf32, #tpu.memory_space<hbm>>
      %dma_start3A_37 = tpu.memref_slice %arg4[%mul3A_2] : memref<512xf32, #tpu.memory_space<hbm>> -> memref<16xf32, #tpu.memory_space<hbm>>
      tpu.enqueue_dma source(%dma_start3A_37 : memref<16xf32, #tpu.memory_space<hbm>>) target(%arg14 : memref<16xf32, #tpu.memory_space<vmem>>) target_semaphore(%run_scoped3A : memref<!tpu.dma_semaphore, #tpu.memory_space<semaphore_mem>>)
      %dma_wait3A = tpu.memref_slice %arg4[%mul3A_2] : memref<512xf32, #tpu.memory_space<hbm>> -> memref<16xf32, #tpu.memory_space<hbm>>
      %dma_wait3A_38 = tpu.memref_slice %arg4[%mul3A_2] : memref<512xf32, #tpu.memory_space<hbm>> -> memref<16xf32, #tpu.memory_space<hbm>>
      tpu.wait_dma2 semaphore(%run_scoped3A : memref<!tpu.dma_semaphore, #tpu.memory_space<semaphore_mem>>) src(%dma_wait3A_38 : memref<16xf32, #tpu.memory_space<hbm>>) dst(%arg14 : memref<16xf32, #tpu.memory_space<vmem>>)
      tpu.yield
    }) : () -> ()
    "tpu.region"() ({
      %run_scoped3A = tpu.sem_alloc : memref<!tpu.dma_semaphore, #tpu.memory_space<semaphore_mem>>
      %dma_start3A = tpu.memref_slice %arg5[%mul3A_2] : memref<512xf32, #tpu.memory_space<hbm>> -> memref<16xf32, #tpu.memory_space<hbm>>
      %dma_start3A_37 = tpu.memref_slice %arg5[%mul3A_2] : memref<512xf32, #tpu.memory_space<hbm>> -> memref<16xf32, #tpu.memory_space<hbm>>
      tpu.enqueue_dma source(%dma_start3A_37 : memref<16xf32, #tpu.memory_space<hbm>>) target(%arg15 : memref<16xf32, #tpu.memory_space<vmem>>) target_semaphore(%run_scoped3A : memref<!tpu.dma_semaphore, #tpu.memory_space<semaphore_mem>>)
      %dma_wait3A = tpu.memref_slice %arg5[%mul3A_2] : memref<512xf32, #tpu.memory_space<hbm>> -> memref<16xf32, #tpu.memory_space<hbm>>
      %dma_wait3A_38 = tpu.memref_slice %arg5[%mul3A_2] : memref<512xf32, #tpu.memory_space<hbm>> -> memref<16xf32, #tpu.memory_space<hbm>>
      tpu.wait_dma2 semaphore(%run_scoped3A : memref<!tpu.dma_semaphore, #tpu.memory_space<semaphore_mem>>) src(%dma_wait3A_38 : memref<16xf32, #tpu.memory_space<hbm>>) dst(%arg15 : memref<16xf32, #tpu.memory_space<vmem>>)
      tpu.yield
    }) : () -> ()
    "tpu.region"() ({
      %run_scoped3A = tpu.sem_alloc : memref<!tpu.dma_semaphore, #tpu.memory_space<semaphore_mem>>
      tpu.enqueue_dma source(%arg6 : memref<16384xf32, #tpu.memory_space<hbm>>) target(%arg16 : memref<16384xf32, #tpu.memory_space<vmem>>) target_semaphore(%run_scoped3A : memref<!tpu.dma_semaphore, #tpu.memory_space<semaphore_mem>>)
      tpu.wait_dma2 semaphore(%run_scoped3A : memref<!tpu.dma_semaphore, #tpu.memory_space<semaphore_mem>>) src(%arg6 : memref<16384xf32, #tpu.memory_space<hbm>>) dst(%arg16 : memref<16384xf32, #tpu.memory_space<vmem>>)
      tpu.yield
    }) : () -> ()
    "tpu.region"() ({
      %run_scoped3A = tpu.sem_alloc : memref<!tpu.dma_semaphore, #tpu.memory_space<semaphore_mem>>
      tpu.enqueue_dma source(%arg7 : memref<16384xf32, #tpu.memory_space<hbm>>) target(%arg17 : memref<16384xf32, #tpu.memory_space<vmem>>) target_semaphore(%run_scoped3A : memref<!tpu.dma_semaphore, #tpu.memory_space<semaphore_mem>>)
      tpu.wait_dma2 semaphore(%run_scoped3A : memref<!tpu.dma_semaphore, #tpu.memory_space<semaphore_mem>>) src(%arg7 : memref<16384xf32, #tpu.memory_space<hbm>>) dst(%arg17 : memref<16384xf32, #tpu.memory_space<vmem>>)
      tpu.yield
    }) : () -> ()
    "tpu.region"() ({
      %run_scoped3A = tpu.sem_alloc : memref<!tpu.dma_semaphore, #tpu.memory_space<semaphore_mem>>
      tpu.enqueue_dma source(%arg8 : memref<16384xf32, #tpu.memory_space<hbm>>) target(%arg18 : memref<16384xf32, #tpu.memory_space<vmem>>) target_semaphore(%run_scoped3A : memref<!tpu.dma_semaphore, #tpu.memory_space<semaphore_mem>>)
      tpu.wait_dma2 semaphore(%run_scoped3A : memref<!tpu.dma_semaphore, #tpu.memory_space<semaphore_mem>>) src(%arg8 : memref<16384xf32, #tpu.memory_space<hbm>>) dst(%arg18 : memref<16384xf32, #tpu.memory_space<vmem>>)
      tpu.yield
    }) : () -> ()
    "tpu.region"() ({
      %run_scoped3A = tpu.sem_alloc : memref<!tpu.dma_semaphore, #tpu.memory_space<semaphore_mem>>
      tpu.enqueue_dma source(%arg9 : memref<16384xf32, #tpu.memory_space<hbm>>) target(%arg19 : memref<16384xf32, #tpu.memory_space<vmem>>) target_semaphore(%run_scoped3A : memref<!tpu.dma_semaphore, #tpu.memory_space<semaphore_mem>>)
      tpu.wait_dma2 semaphore(%run_scoped3A : memref<!tpu.dma_semaphore, #tpu.memory_space<semaphore_mem>>) src(%arg9 : memref<16384xf32, #tpu.memory_space<hbm>>) dst(%arg19 : memref<16384xf32, #tpu.memory_space<vmem>>)
      tpu.yield
    }) : () -> ()
    %broadcast_in_dim3A = arith.constant 0.000000e+00 : f32
    %broadcast_in_dim3A_3 = vector.broadcast %broadcast_in_dim3A : f32 to vector<16xf32>
    %scan3A = arith.constant 0 : i32
    %mul3A_4 = arith.constant 16 : i32
    %mul3A_5 = arith.muli %scan3A, %mul3A_4 : i32
    %get3A = arith.index_cast %mul3A_5 : i32 to index
    %get3A_6 = tpu.vector_load %arg12[%get3A] {strides = array<i32>} : memref<16xf32, #tpu.memory_space<vmem>>, vector<16xf32>,
    %get3A_7 = vector.shape_cast %get3A_6 : vector<16xf32> to vector<16xf32>
    %get3A_8 = arith.index_cast %mul3A_5 : i32 to index
    %get3A_9 = tpu.vector_load %arg13[%get3A_8] {strides = array<i32>} : memref<16xf32, #tpu.memory_space<vmem>>, vector<16xf32>,
    %get3A_10 = vector.shape_cast %get3A_9 : vector<16xf32> to vector<16xf32>
    %get3A_11 = arith.index_cast %mul3A_5 : i32 to index
    %get3A_12 = tpu.vector_load %arg14[%get3A_11] {strides = array<i32>} : memref<16xf32, #tpu.memory_space<vmem>>, vector<16xf32>,
    %get3A_13 = vector.shape_cast %get3A_12 : vector<16xf32> to vector<16xf32>
    %get3A_14 = arith.index_cast %mul3A_5 : i32 to index
    %get3A_15 = tpu.vector_load %arg15[%get3A_14] {strides = array<i32>} : memref<16xf32, #tpu.memory_space<vmem>>, vector<16xf32>,
    %get3A_16 = vector.shape_cast %get3A_15 : vector<16xf32> to vector<16xf32>
    %broadcast_in_dim3A_17 = arith.constant 0x7F800000 : f32
    %broadcast_in_dim3A_18 = vector.broadcast %broadcast_in_dim3A_17 : f32 to vector<16xf32>
    %scan3A_19 = arith.constant 0 : i32
    %scan3A_20 = arith.constant 1024 : i32
    %scan3A_21 = arith.addi %scan3A_19, %scan3A_20 : i32
    %scan3A_22 = arith.constant 1 : i32
    %scan3A_23 = scf.for %scan3A_37 = %scan3A_19 to %scan3A_21 step %scan3A_22 iter_args(%scan3A_38 = %broadcast_in_dim3A_18) -> (vector<16xf32>)  : i32 {
      %mul3A_39 = arith.constant 16 : i32
      %mul3A_40 = arith.muli %scan3A_37, %mul3A_39 : i32
      %get3A_41 = arith.index_cast %mul3A_40 : i32 to index
      %get3A_42 = tpu.vector_load %arg16[%get3A_41] {strides = array<i32>} : memref<16384xf32, #tpu.memory_space<vmem>>, vector<16xf32>,
      %get3A_43 = vector.shape_cast %get3A_42 : vector<16xf32> to vector<16xf32>
      %get3A_44 = arith.index_cast %mul3A_40 : i32 to index
      %get3A_45 = tpu.vector_load %arg17[%get3A_44] {strides = array<i32>} : memref<16384xf32, #tpu.memory_space<vmem>>, vector<16xf32>,
      %get3A_46 = vector.shape_cast %get3A_45 : vector<16xf32> to vector<16xf32>
      %get3A_47 = arith.index_cast %mul3A_40 : i32 to index
      %get3A_48 = tpu.vector_load %arg18[%get3A_47] {strides = array<i32>} : memref<16384xf32, #tpu.memory_space<vmem>>, vector<16xf32>,
      %get3A_49 = vector.shape_cast %get3A_48 : vector<16xf32> to vector<16xf32>
      %get3A_50 = arith.index_cast %mul3A_40 : i32 to index
      %get3A_51 = tpu.vector_load %arg19[%get3A_50] {strides = array<i32>} : memref<16384xf32, #tpu.memory_space<vmem>>, vector<16xf32>,
      %get3A_52 = vector.shape_cast %get3A_51 : vector<16xf32> to vector<16xf32>
      %slice3A = vector.extract_strided_slice %get3A_43 {offsets = [0], sizes = [1], strides = [1]} : vector<16xf32> to vector<1xf32>
      %squeeze3A = vector.extract %slice3A[0] : f32 from vector<1xf32>
      %mul3A_53 = vector.broadcast %squeeze3A : f32 to vector<16xf32>
      %mul3A_54 = arith.mulf %get3A_7, %mul3A_53 : vector<16xf32>
      %slice3A_55 = vector.extract_strided_slice %get3A_46 {offsets = [0], sizes = [1], strides = [1]} : vector<16xf32> to vector<1xf32>
      %squeeze3A_56 = vector.extract %slice3A_55[0] : f32 from vector<1xf32>
      %mul3A_57 = vector.broadcast %squeeze3A_56 : f32 to vector<16xf32>
      %mul3A_58 = arith.mulf %get3A_10, %mul3A_57 : vector<16xf32>
      %add3A_59 = arith.addf %mul3A_54, %mul3A_58 : vector<16xf32>
      %slice3A_60 = vector.extract_strided_slice %get3A_49 {offsets = [0], sizes = [1], strides = [1]} : vector<16xf32> to vector<1xf32>
      %squeeze3A_61 = vector.extract %slice3A_60[0] : f32 from vector<1xf32>
      %mul3A_62 = vector.broadcast %squeeze3A_61 : f32 to vector<16xf32>
      %mul3A_63 = arith.mulf %get3A_13, %mul3A_62 : vector<16xf32>
      %add3A_64 = arith.addf %add3A_59, %mul3A_63 : vector<16xf32>
      %slice3A_65 = vector.extract_strided_slice %get3A_52 {offsets = [0], sizes = [1], strides = [1]} : vector<16xf32> to vector<1xf32>
      %squeeze3A_66 = vector.extract %slice3A_65[0] : f32 from vector<1xf32>
      %add3A_67 = vector.broadcast %squeeze3A_66 : f32 to vector<16xf32>
      %add3A_68 = arith.addf %add3A_64, %add3A_67 : vector<16xf32>
      %min3A = arith.minimumf %scan3A_38, %add3A_68 : vector<16xf32>
      %slice3A_69 = vector.extract_strided_slice %get3A_43 {offsets = [1], sizes = [1], strides = [1]} : vector<16xf32> to vector<1xf32>
      %squeeze3A_70 = vector.extract %slice3A_69[0] : f32 from vector<1xf32>
      %mul3A_71 = vector.broadcast %squeeze3A_70 : f32 to vector<16xf32>
      %mul3A_72 = arith.mulf %get3A_7, %mul3A_71 : vector<16xf32>
      %slice3A_73 = vector.extract_strided_slice %get3A_46 {offsets = [1], sizes = [1], strides = [1]} : vector<16xf32> to vector<1xf32>
      %squeeze3A_74 = vector.extract %slice3A_73[0] : f32 from vector<1xf32>
      %mul3A_75 = vector.broadcast %squeeze3A_74 : f32 to vector<16xf32>
      %mul3A_76 = arith.mulf %get3A_10, %mul3A_75 : vector<16xf32>
      %add3A_77 = arith.addf %mul3A_72, %mul3A_76 : vector<16xf32>
      %slice3A_78 = vector.extract_strided_slice %get3A_49 {offsets = [1], sizes = [1], strides = [1]} : vector<16xf32> to vector<1xf32>
      %squeeze3A_79 = vector.extract %slice3A_78[0] : f32 from vector<1xf32>
      %mul3A_80 = vector.broadcast %squeeze3A_79 : f32 to vector<16xf32>
      %mul3A_81 = arith.mulf %get3A_13, %mul3A_80 : vector<16xf32>
      %add3A_82 = arith.addf %add3A_77, %mul3A_81 : vector<16xf32>
      %slice3A_83 = vector.extract_strided_slice %get3A_52 {offsets = [1], sizes = [1], strides = [1]} : vector<16xf32> to vector<1xf32>
      %squeeze3A_84 = vector.extract %slice3A_83[0] : f32 from vector<1xf32>
      %add3A_85 = vector.broadcast %squeeze3A_84 : f32 to vector<16xf32>
      %add3A_86 = arith.addf %add3A_82, %add3A_85 : vector<16xf32>
      %min3A_87 = arith.minimumf %min3A, %add3A_86 : vector<16xf32>
      %slice3A_88 = vector.extract_strided_slice %get3A_43 {offsets = [2], sizes = [1], strides = [1]} : vector<16xf32> to vector<1xf32>
      %squeeze3A_89 = vector.extract %slice3A_88[0] : f32 from vector<1xf32>
      %mul3A_90 = vector.broadcast %squeeze3A_89 : f32 to vector<16xf32>
      %mul3A_91 = arith.mulf %get3A_7, %mul3A_90 : vector<16xf32>
      %slice3A_92 = vector.extract_strided_slice %get3A_46 {offsets = [2], sizes = [1], strides = [1]} : vector<16xf32> to vector<1xf32>
      %squeeze3A_93 = vector.extract %slice3A_92[0] : f32 from vector<1xf32>
      %mul3A_94 = vector.broadcast %squeeze3A_93 : f32 to vector<16xf32>
      %mul3A_95 = arith.mulf %get3A_10, %mul3A_94 : vector<16xf32>
      %add3A_96 = arith.addf %mul3A_91, %mul3A_95 : vector<16xf32>
      %slice3A_97 = vector.extract_strided_slice %get3A_49 {offsets = [2], sizes = [1], strides = [1]} : vector<16xf32> to vector<1xf32>
      %squeeze3A_98 = vector.extract %slice3A_97[0] : f32 from vector<1xf32>
      %mul3A_99 = vector.broadcast %squeeze3A_98 : f32 to vector<16xf32>
      %mul3A_100 = arith.mulf %get3A_13, %mul3A_99 : vector<16xf32>
      %add3A_101 = arith.addf %add3A_96, %mul3A_100 : vector<16xf32>
      %slice3A_102 = vector.extract_strided_slice %get3A_52 {offsets = [2], sizes = [1], strides = [1]} : vector<16xf32> to vector<1xf32>
      %squeeze3A_103 = vector.extract %slice3A_102[0] : f32 from vector<1xf32>
      %add3A_104 = vector.broadcast %squeeze3A_103 : f32 to vector<16xf32>
      %add3A_105 = arith.addf %add3A_101, %add3A_104 : vector<16xf32>
      %min3A_106 = arith.minimumf %min3A_87, %add3A_105 : vector<16xf32>
      %slice3A_107 = vector.extract_strided_slice %get3A_43 {offsets = [3], sizes = [1], strides = [1]} : vector<16xf32> to vector<1xf32>
      %squeeze3A_108 = vector.extract %slice3A_107[0] : f32 from vector<1xf32>
      %mul3A_109 = vector.broadcast %squeeze3A_108 : f32 to vector<16xf32>
      %mul3A_110 = arith.mulf %get3A_7, %mul3A_109 : vector<16xf32>
      %slice3A_111 = vector.extract_strided_slice %get3A_46 {offsets = [3], sizes = [1], strides = [1]} : vector<16xf32> to vector<1xf32>
      %squeeze3A_112 = vector.extract %slice3A_111[0] : f32 from vector<1xf32>
      %mul3A_113 = vector.broadcast %squeeze3A_112 : f32 to vector<16xf32>
      %mul3A_114 = arith.mulf %get3A_10, %mul3A_113 : vector<16xf32>
      %add3A_115 = arith.addf %mul3A_110, %mul3A_114 : vector<16xf32>
      %slice3A_116 = vector.extract_strided_slice %get3A_49 {offsets = [3], sizes = [1], strides = [1]} : vector<16xf32> to vector<1xf32>
      %squeeze3A_117 = vector.extract %slice3A_116[0] : f32 from vector<1xf32>
      %mul3A_118 = vector.broadcast %squeeze3A_117 : f32 to vector<16xf32>
      %mul3A_119 = arith.mulf %get3A_13, %mul3A_118 : vector<16xf32>
      %add3A_120 = arith.addf %add3A_115, %mul3A_119 : vector<16xf32>
      %slice3A_121 = vector.extract_strided_slice %get3A_52 {offsets = [3], sizes = [1], strides = [1]} : vector<16xf32> to vector<1xf32>
      %squeeze3A_122 = vector.extract %slice3A_121[0] : f32 from vector<1xf32>
      %add3A_123 = vector.broadcast %squeeze3A_122 : f32 to vector<16xf32>
      %add3A_124 = arith.addf %add3A_120, %add3A_123 : vector<16xf32>
      %min3A_125 = arith.minimumf %min3A_106, %add3A_124 : vector<16xf32>
      %slice3A_126 = vector.extract_strided_slice %get3A_43 {offsets = [4], sizes = [1], strides = [1]} : vector<16xf32> to vector<1xf32>
      %squeeze3A_127 = vector.extract %slice3A_126[0] : f32 from vector<1xf32>
      %mul3A_128 = vector.broadcast %squeeze3A_127 : f32 to vector<16xf32>
      %mul3A_129 = arith.mulf %get3A_7, %mul3A_128 : vector<16xf32>
      %slice3A_130 = vector.extract_strided_slice %get3A_46 {offsets = [4], sizes = [1], strides = [1]} : vector<16xf32> to vector<1xf32>
      %squeeze3A_131 = vector.extract %slice3A_130[0] : f32 from vector<1xf32>
      %mul3A_132 = vector.broadcast %squeeze3A_131 : f32 to vector<16xf32>
      %mul3A_133 = arith.mulf %get3A_10, %mul3A_132 : vector<16xf32>
      %add3A_134 = arith.addf %mul3A_129, %mul3A_133 : vector<16xf32>
      %slice3A_135 = vector.extract_strided_slice %get3A_49 {offsets = [4], sizes = [1], strides = [1]} : vector<16xf32> to vector<1xf32>
      %squeeze3A_136 = vector.extract %slice3A_135[0] : f32 from vector<1xf32>
      %mul3A_137 = vector.broadcast %squeeze3A_136 : f32 to vector<16xf32>
      %mul3A_138 = arith.mulf %get3A_13, %mul3A_137 : vector<16xf32>
      %add3A_139 = arith.addf %add3A_134, %mul3A_138 : vector<16xf32>
      %slice3A_140 = vector.extract_strided_slice %get3A_52 {offsets = [4], sizes = [1], strides = [1]} : vector<16xf32> to vector<1xf32>
      %squeeze3A_141 = vector.extract %slice3A_140[0] : f32 from vector<1xf32>
      %add3A_142 = vector.broadcast %squeeze3A_141 : f32 to vector<16xf32>
      %add3A_143 = arith.addf %add3A_139, %add3A_142 : vector<16xf32>
      %min3A_144 = arith.minimumf %min3A_125, %add3A_143 : vector<16xf32>
      %slice3A_145 = vector.extract_strided_slice %get3A_43 {offsets = [5], sizes = [1], strides = [1]} : vector<16xf32> to vector<1xf32>
      %squeeze3A_146 = vector.extract %slice3A_145[0] : f32 from vector<1xf32>
      %mul3A_147 = vector.broadcast %squeeze3A_146 : f32 to vector<16xf32>
      %mul3A_148 = arith.mulf %get3A_7, %mul3A_147 : vector<16xf32>
      %slice3A_149 = vector.extract_strided_slice %get3A_46 {offsets = [5], sizes = [1], strides = [1]} : vector<16xf32> to vector<1xf32>
      %squeeze3A_150 = vector.extract %slice3A_149[0] : f32 from vector<1xf32>
      %mul3A_151 = vector.broadcast %squeeze3A_150 : f32 to vector<16xf32>
      %mul3A_152 = arith.mulf %get3A_10, %mul3A_151 : vector<16xf32>
      %add3A_153 = arith.addf %mul3A_148, %mul3A_152 : vector<16xf32>
      %slice3A_154 = vector.extract_strided_slice %get3A_49 {offsets = [5], sizes = [1], strides = [1]} : vector<16xf32> to vector<1xf32>
      %squeeze3A_155 = vector.extract %slice3A_154[0] : f32 from vector<1xf32>
      %mul3A_156 = vector.broadcast %squeeze3A_155 : f32 to vector<16xf32>
      %mul3A_157 = arith.mulf %get3A_13, %mul3A_156 : vector<16xf32>
      %add3A_158 = arith.addf %add3A_153, %mul3A_157 : vector<16xf32>
      %slice3A_159 = vector.extract_strided_slice %get3A_52 {offsets = [5], sizes = [1], strides = [1]} : vector<16xf32> to vector<1xf32>
      %squeeze3A_160 = vector.extract %slice3A_159[0] : f32 from vector<1xf32>
      %add3A_161 = vector.broadcast %squeeze3A_160 : f32 to vector<16xf32>
      %add3A_162 = arith.addf %add3A_158, %add3A_161 : vector<16xf32>
      %min3A_163 = arith.minimumf %min3A_144, %add3A_162 : vector<16xf32>
      %slice3A_164 = vector.extract_strided_slice %get3A_43 {offsets = [6], sizes = [1], strides = [1]} : vector<16xf32> to vector<1xf32>
      %squeeze3A_165 = vector.extract %slice3A_164[0] : f32 from vector<1xf32>
      %mul3A_166 = vector.broadcast %squeeze3A_165 : f32 to vector<16xf32>
      %mul3A_167 = arith.mulf %get3A_7, %mul3A_166 : vector<16xf32>
      %slice3A_168 = vector.extract_strided_slice %get3A_46 {offsets = [6], sizes = [1], strides = [1]} : vector<16xf32> to vector<1xf32>
      %squeeze3A_169 = vector.extract %slice3A_168[0] : f32 from vector<1xf32>
      %mul3A_170 = vector.broadcast %squeeze3A_169 : f32 to vector<16xf32>
      %mul3A_171 = arith.mulf %get3A_10, %mul3A_170 : vector<16xf32>
      %add3A_172 = arith.addf %mul3A_167, %mul3A_171 : vector<16xf32>
      %slice3A_173 = vector.extract_strided_slice %get3A_49 {offsets = [6], sizes = [1], strides = [1]} : vector<16xf32> to vector<1xf32>
      %squeeze3A_174 = vector.extract %slice3A_173[0] : f32 from vector<1xf32>
      %mul3A_175 = vector.broadcast %squeeze3A_174 : f32 to vector<16xf32>
      %mul3A_176 = arith.mulf %get3A_13, %mul3A_175 : vector<16xf32>
      %add3A_177 = arith.addf %add3A_172, %mul3A_176 : vector<16xf32>
      %slice3A_178 = vector.extract_strided_slice %get3A_52 {offsets = [6], sizes = [1], strides = [1]} : vector<16xf32> to vector<1xf32>
      %squeeze3A_179 = vector.extract %slice3A_178[0] : f32 from vector<1xf32>
      %add3A_180 = vector.broadcast %squeeze3A_179 : f32 to vector<16xf32>
      %add3A_181 = arith.addf %add3A_177, %add3A_180 : vector<16xf32>
      %min3A_182 = arith.minimumf %min3A_163, %add3A_181 : vector<16xf32>
      %slice3A_183 = vector.extract_strided_slice %get3A_43 {offsets = [7], sizes = [1], strides = [1]} : vector<16xf32> to vector<1xf32>
      %squeeze3A_184 = vector.extract %slice3A_183[0] : f32 from vector<1xf32>
      %mul3A_185 = vector.broadcast %squeeze3A_184 : f32 to vector<16xf32>
      %mul3A_186 = arith.mulf %get3A_7, %mul3A_185 : vector<16xf32>
      %slice3A_187 = vector.extract_strided_slice %get3A_46 {offsets = [7], sizes = [1], strides = [1]} : vector<16xf32> to vector<1xf32>
      %squeeze3A_188 = vector.extract %slice3A_187[0] : f32 from vector<1xf32>
      %mul3A_189 = vector.broadcast %squeeze3A_188 : f32 to vector<16xf32>
      %mul3A_190 = arith.mulf %get3A_10, %mul3A_189 : vector<16xf32>
      %add3A_191 = arith.addf %mul3A_186, %mul3A_190 : vector<16xf32>
      %slice3A_192 = vector.extract_strided_slice %get3A_49 {offsets = [7], sizes = [1], strides = [1]} : vector<16xf32> to vector<1xf32>
      %squeeze3A_193 = vector.extract %slice3A_192[0] : f32 from vector<1xf32>
      %mul3A_194 = vector.broadcast %squeeze3A_193 : f32 to vector<16xf32>
      %mul3A_195 = arith.mulf %get3A_13, %mul3A_194 : vector<16xf32>
      %add3A_196 = arith.addf %add3A_191, %mul3A_195 : vector<16xf32>
      %slice3A_197 = vector.extract_strided_slice %get3A_52 {offsets = [7], sizes = [1], strides = [1]} : vector<16xf32> to vector<1xf32>
      %squeeze3A_198 = vector.extract %slice3A_197[0] : f32 from vector<1xf32>
      %add3A_199 = vector.broadcast %squeeze3A_198 : f32 to vector<16xf32>
      %add3A_200 = arith.addf %add3A_196, %add3A_199 : vector<16xf32>
      %min3A_201 = arith.minimumf %min3A_182, %add3A_200 : vector<16xf32>
      %slice3A_202 = vector.extract_strided_slice %get3A_43 {offsets = [8], sizes = [1], strides = [1]} : vector<16xf32> to vector<1xf32>
      %squeeze3A_203 = vector.extract %slice3A_202[0] : f32 from vector<1xf32>
      %mul3A_204 = vector.broadcast %squeeze3A_203 : f32 to vector<16xf32>
      %mul3A_205 = arith.mulf %get3A_7, %mul3A_204 : vector<16xf32>
      %slice3A_206 = vector.extract_strided_slice %get3A_46 {offsets = [8], sizes = [1], strides = [1]} : vector<16xf32> to vector<1xf32>
      %squeeze3A_207 = vector.extract %slice3A_206[0] : f32 from vector<1xf32>
      %mul3A_208 = vector.broadcast %squeeze3A_207 : f32 to vector<16xf32>
      %mul3A_209 = arith.mulf %get3A_10, %mul3A_208 : vector<16xf32>
      %add3A_210 = arith.addf %mul3A_205, %mul3A_209 : vector<16xf32>
      %slice3A_211 = vector.extract_strided_slice %get3A_49 {offsets = [8], sizes = [1], strides = [1]} : vector<16xf32> to vector<1xf32>
      %squeeze3A_212 = vector.extract %slice3A_211[0] : f32 from vector<1xf32>
      %mul3A_213 = vector.broadcast %squeeze3A_212 : f32 to vector<16xf32>
      %mul3A_214 = arith.mulf %get3A_13, %mul3A_213 : vector<16xf32>
      %add3A_215 = arith.addf %add3A_210, %mul3A_214 : vector<16xf32>
      %slice3A_216 = vector.extract_strided_slice %get3A_52 {offsets = [8], sizes = [1], strides = [1]} : vector<16xf32> to vector<1xf32>
      %squeeze3A_217 = vector.extract %slice3A_216[0] : f32 from vector<1xf32>
      %add3A_218 = vector.broadcast %squeeze3A_217 : f32 to vector<16xf32>
      %add3A_219 = arith.addf %add3A_215, %add3A_218 : vector<16xf32>
      %min3A_220 = arith.minimumf %min3A_201, %add3A_219 : vector<16xf32>
      %slice3A_221 = vector.extract_strided_slice %get3A_43 {offsets = [9], sizes = [1], strides = [1]} : vector<16xf32> to vector<1xf32>
      %squeeze3A_222 = vector.extract %slice3A_221[0] : f32 from vector<1xf32>
      %mul3A_223 = vector.broadcast %squeeze3A_222 : f32 to vector<16xf32>
      %mul3A_224 = arith.mulf %get3A_7, %mul3A_223 : vector<16xf32>
      %slice3A_225 = vector.extract_strided_slice %get3A_46 {offsets = [9], sizes = [1], strides = [1]} : vector<16xf32> to vector<1xf32>
      %squeeze3A_226 = vector.extract %slice3A_225[0] : f32 from vector<1xf32>
      %mul3A_227 = vector.broadcast %squeeze3A_226 : f32 to vector<16xf32>
      %mul3A_228 = arith.mulf %get3A_10, %mul3A_227 : vector<16xf32>
      %add3A_229 = arith.addf %mul3A_224, %mul3A_228 : vector<16xf32>
      %slice3A_230 = vector.extract_strided_slice %get3A_49 {offsets = [9], sizes = [1], strides = [1]} : vector<16xf32> to vector<1xf32>
      %squeeze3A_231 = vector.extract %slice3A_230[0] : f32 from vector<1xf32>
      %mul3A_232 = vector.broadcast %squeeze3A_231 : f32 to vector<16xf32>
      %mul3A_233 = arith.mulf %get3A_13, %mul3A_232 : vector<16xf32>
      %add3A_234 = arith.addf %add3A_229, %mul3A_233 : vector<16xf32>
      %slice3A_235 = vector.extract_strided_slice %get3A_52 {offsets = [9], sizes = [1], strides = [1]} : vector<16xf32> to vector<1xf32>
      %squeeze3A_236 = vector.extract %slice3A_235[0] : f32 from vector<1xf32>
      %add3A_237 = vector.broadcast %squeeze3A_236 : f32 to vector<16xf32>
      %add3A_238 = arith.addf %add3A_234, %add3A_237 : vector<16xf32>
      %min3A_239 = arith.minimumf %min3A_220, %add3A_238 : vector<16xf32>
      %slice3A_240 = vector.extract_strided_slice %get3A_43 {offsets = [10], sizes = [1], strides = [1]} : vector<16xf32> to vector<1xf32>
      %squeeze3A_241 = vector.extract %slice3A_240[0] : f32 from vector<1xf32>
      %mul3A_242 = vector.broadcast %squeeze3A_241 : f32 to vector<16xf32>
      %mul3A_243 = arith.mulf %get3A_7, %mul3A_242 : vector<16xf32>
      %slice3A_244 = vector.extract_strided_slice %get3A_46 {offsets = [10], sizes = [1], strides = [1]} : vector<16xf32> to vector<1xf32>
      %squeeze3A_245 = vector.extract %slice3A_244[0] : f32 from vector<1xf32>
      %mul3A_246 = vector.broadcast %squeeze3A_245 : f32 to vector<16xf32>
      %mul3A_247 = arith.mulf %get3A_10, %mul3A_246 : vector<16xf32>
      %add3A_248 = arith.addf %mul3A_243, %mul3A_247 : vector<16xf32>
      %slice3A_249 = vector.extract_strided_slice %get3A_49 {offsets = [10], sizes = [1], strides = [1]} : vector<16xf32> to vector<1xf32>
      %squeeze3A_250 = vector.extract %slice3A_249[0] : f32 from vector<1xf32>
      %mul3A_251 = vector.broadcast %squeeze3A_250 : f32 to vector<16xf32>
      %mul3A_252 = arith.mulf %get3A_13, %mul3A_251 : vector<16xf32>
      %add3A_253 = arith.addf %add3A_248, %mul3A_252 : vector<16xf32>
      %slice3A_254 = vector.extract_strided_slice %get3A_52 {offsets = [10], sizes = [1], strides = [1]} : vector<16xf32> to vector<1xf32>
      %squeeze3A_255 = vector.extract %slice3A_254[0] : f32 from vector<1xf32>
      %add3A_256 = vector.broadcast %squeeze3A_255 : f32 to vector<16xf32>
      %add3A_257 = arith.addf %add3A_253, %add3A_256 : vector<16xf32>
      %min3A_258 = arith.minimumf %min3A_239, %add3A_257 : vector<16xf32>
      %slice3A_259 = vector.extract_strided_slice %get3A_43 {offsets = [11], sizes = [1], strides = [1]} : vector<16xf32> to vector<1xf32>
      %squeeze3A_260 = vector.extract %slice3A_259[0] : f32 from vector<1xf32>
      %mul3A_261 = vector.broadcast %squeeze3A_260 : f32 to vector<16xf32>
      %mul3A_262 = arith.mulf %get3A_7, %mul3A_261 : vector<16xf32>
      %slice3A_263 = vector.extract_strided_slice %get3A_46 {offsets = [11], sizes = [1], strides = [1]} : vector<16xf32> to vector<1xf32>
      %squeeze3A_264 = vector.extract %slice3A_263[0] : f32 from vector<1xf32>
      %mul3A_265 = vector.broadcast %squeeze3A_264 : f32 to vector<16xf32>
      %mul3A_266 = arith.mulf %get3A_10, %mul3A_265 : vector<16xf32>
      %add3A_267 = arith.addf %mul3A_262, %mul3A_266 : vector<16xf32>
      %slice3A_268 = vector.extract_strided_slice %get3A_49 {offsets = [11], sizes = [1], strides = [1]} : vector<16xf32> to vector<1xf32>
      %squeeze3A_269 = vector.extract %slice3A_268[0] : f32 from vector<1xf32>
      %mul3A_270 = vector.broadcast %squeeze3A_269 : f32 to vector<16xf32>
      %mul3A_271 = arith.mulf %get3A_13, %mul3A_270 : vector<16xf32>
      %add3A_272 = arith.addf %add3A_267, %mul3A_271 : vector<16xf32>
      %slice3A_273 = vector.extract_strided_slice %get3A_52 {offsets = [11], sizes = [1], strides = [1]} : vector<16xf32> to vector<1xf32>
      %squeeze3A_274 = vector.extract %slice3A_273[0] : f32 from vector<1xf32>
      %add3A_275 = vector.broadcast %squeeze3A_274 : f32 to vector<16xf32>
      %add3A_276 = arith.addf %add3A_272, %add3A_275 : vector<16xf32>
      %min3A_277 = arith.minimumf %min3A_258, %add3A_276 : vector<16xf32>
      %slice3A_278 = vector.extract_strided_slice %get3A_43 {offsets = [12], sizes = [1], strides = [1]} : vector<16xf32> to vector<1xf32>
      %squeeze3A_279 = vector.extract %slice3A_278[0] : f32 from vector<1xf32>
      %mul3A_280 = vector.broadcast %squeeze3A_279 : f32 to vector<16xf32>
      %mul3A_281 = arith.mulf %get3A_7, %mul3A_280 : vector<16xf32>
      %slice3A_282 = vector.extract_strided_slice %get3A_46 {offsets = [12], sizes = [1], strides = [1]} : vector<16xf32> to vector<1xf32>
      %squeeze3A_283 = vector.extract %slice3A_282[0] : f32 from vector<1xf32>
      %mul3A_284 = vector.broadcast %squeeze3A_283 : f32 to vector<16xf32>
      %mul3A_285 = arith.mulf %get3A_10, %mul3A_284 : vector<16xf32>
      %add3A_286 = arith.addf %mul3A_281, %mul3A_285 : vector<16xf32>
      %slice3A_287 = vector.extract_strided_slice %get3A_49 {offsets = [12], sizes = [1], strides = [1]} : vector<16xf32> to vector<1xf32>
      %squeeze3A_288 = vector.extract %slice3A_287[0] : f32 from vector<1xf32>
      %mul3A_289 = vector.broadcast %squeeze3A_288 : f32 to vector<16xf32>
      %mul3A_290 = arith.mulf %get3A_13, %mul3A_289 : vector<16xf32>
      %add3A_291 = arith.addf %add3A_286, %mul3A_290 : vector<16xf32>
      %slice3A_292 = vector.extract_strided_slice %get3A_52 {offsets = [12], sizes = [1], strides = [1]} : vector<16xf32> to vector<1xf32>
      %squeeze3A_293 = vector.extract %slice3A_292[0] : f32 from vector<1xf32>
      %add3A_294 = vector.broadcast %squeeze3A_293 : f32 to vector<16xf32>
      %add3A_295 = arith.addf %add3A_291, %add3A_294 : vector<16xf32>
      %min3A_296 = arith.minimumf %min3A_277, %add3A_295 : vector<16xf32>
      %slice3A_297 = vector.extract_strided_slice %get3A_43 {offsets = [13], sizes = [1], strides = [1]} : vector<16xf32> to vector<1xf32>
      %squeeze3A_298 = vector.extract %slice3A_297[0] : f32 from vector<1xf32>
      %mul3A_299 = vector.broadcast %squeeze3A_298 : f32 to vector<16xf32>
      %mul3A_300 = arith.mulf %get3A_7, %mul3A_299 : vector<16xf32>
      %slice3A_301 = vector.extract_strided_slice %get3A_46 {offsets = [13], sizes = [1], strides = [1]} : vector<16xf32> to vector<1xf32>
      %squeeze3A_302 = vector.extract %slice3A_301[0] : f32 from vector<1xf32>
      %mul3A_303 = vector.broadcast %squeeze3A_302 : f32 to vector<16xf32>
      %mul3A_304 = arith.mulf %get3A_10, %mul3A_303 : vector<16xf32>
      %add3A_305 = arith.addf %mul3A_300, %mul3A_304 : vector<16xf32>
      %slice3A_306 = vector.extract_strided_slice %get3A_49 {offsets = [13], sizes = [1], strides = [1]} : vector<16xf32> to vector<1xf32>
      %squeeze3A_307 = vector.extract %slice3A_306[0] : f32 from vector<1xf32>
      %mul3A_308 = vector.broadcast %squeeze3A_307 : f32 to vector<16xf32>
      %mul3A_309 = arith.mulf %get3A_13, %mul3A_308 : vector<16xf32>
      %add3A_310 = arith.addf %add3A_305, %mul3A_309 : vector<16xf32>
      %slice3A_311 = vector.extract_strided_slice %get3A_52 {offsets = [13], sizes = [1], strides = [1]} : vector<16xf32> to vector<1xf32>
      %squeeze3A_312 = vector.extract %slice3A_311[0] : f32 from vector<1xf32>
      %add3A_313 = vector.broadcast %squeeze3A_312 : f32 to vector<16xf32>
      %add3A_314 = arith.addf %add3A_310, %add3A_313 : vector<16xf32>
      %min3A_315 = arith.minimumf %min3A_296, %add3A_314 : vector<16xf32>
      %slice3A_316 = vector.extract_strided_slice %get3A_43 {offsets = [14], sizes = [1], strides = [1]} : vector<16xf32> to vector<1xf32>
      %squeeze3A_317 = vector.extract %slice3A_316[0] : f32 from vector<1xf32>
      %mul3A_318 = vector.broadcast %squeeze3A_317 : f32 to vector<16xf32>
      %mul3A_319 = arith.mulf %get3A_7, %mul3A_318 : vector<16xf32>
      %slice3A_320 = vector.extract_strided_slice %get3A_46 {offsets = [14], sizes = [1], strides = [1]} : vector<16xf32> to vector<1xf32>
      %squeeze3A_321 = vector.extract %slice3A_320[0] : f32 from vector<1xf32>
      %mul3A_322 = vector.broadcast %squeeze3A_321 : f32 to vector<16xf32>
      %mul3A_323 = arith.mulf %get3A_10, %mul3A_322 : vector<16xf32>
      %add3A_324 = arith.addf %mul3A_319, %mul3A_323 : vector<16xf32>
      %slice3A_325 = vector.extract_strided_slice %get3A_49 {offsets = [14], sizes = [1], strides = [1]} : vector<16xf32> to vector<1xf32>
      %squeeze3A_326 = vector.extract %slice3A_325[0] : f32 from vector<1xf32>
      %mul3A_327 = vector.broadcast %squeeze3A_326 : f32 to vector<16xf32>
      %mul3A_328 = arith.mulf %get3A_13, %mul3A_327 : vector<16xf32>
      %add3A_329 = arith.addf %add3A_324, %mul3A_328 : vector<16xf32>
      %slice3A_330 = vector.extract_strided_slice %get3A_52 {offsets = [14], sizes = [1], strides = [1]} : vector<16xf32> to vector<1xf32>
      %squeeze3A_331 = vector.extract %slice3A_330[0] : f32 from vector<1xf32>
      %add3A_332 = vector.broadcast %squeeze3A_331 : f32 to vector<16xf32>
      %add3A_333 = arith.addf %add3A_329, %add3A_332 : vector<16xf32>
      %min3A_334 = arith.minimumf %min3A_315, %add3A_333 : vector<16xf32>
      %slice3A_335 = vector.extract_strided_slice %get3A_43 {offsets = [15], sizes = [1], strides = [1]} : vector<16xf32> to vector<1xf32>
      %squeeze3A_336 = vector.extract %slice3A_335[0] : f32 from vector<1xf32>
      %mul3A_337 = vector.broadcast %squeeze3A_336 : f32 to vector<16xf32>
      %mul3A_338 = arith.mulf %get3A_7, %mul3A_337 : vector<16xf32>
      %slice3A_339 = vector.extract_strided_slice %get3A_46 {offsets = [15], sizes = [1], strides = [1]} : vector<16xf32> to vector<1xf32>
      %squeeze3A_340 = vector.extract %slice3A_339[0] : f32 from vector<1xf32>
      %mul3A_341 = vector.broadcast %squeeze3A_340 : f32 to vector<16xf32>
      %mul3A_342 = arith.mulf %get3A_10, %mul3A_341 : vector<16xf32>
      %add3A_343 = arith.addf %mul3A_338, %mul3A_342 : vector<16xf32>
      %slice3A_344 = vector.extract_strided_slice %get3A_49 {offsets = [15], sizes = [1], strides = [1]} : vector<16xf32> to vector<1xf32>
      %squeeze3A_345 = vector.extract %slice3A_344[0] : f32 from vector<1xf32>
      %mul3A_346 = vector.broadcast %squeeze3A_345 : f32 to vector<16xf32>
      %mul3A_347 = arith.mulf %get3A_13, %mul3A_346 : vector<16xf32>
      %add3A_348 = arith.addf %add3A_343, %mul3A_347 : vector<16xf32>
      %slice3A_349 = vector.extract_strided_slice %get3A_52 {offsets = [15], sizes = [1], strides = [1]} : vector<16xf32> to vector<1xf32>
      %squeeze3A_350 = vector.extract %slice3A_349[0] : f32 from vector<1xf32>
      %add3A_351 = vector.broadcast %squeeze3A_350 : f32 to vector<16xf32>
      %add3A_352 = arith.addf %add3A_348, %add3A_351 : vector<16xf32>
      %min3A_353 = arith.minimumf %min3A_334, %add3A_352 : vector<16xf32>
      scf.yield %min3A_353 : vector<16xf32>
    }
    %scan3A_24 = arith.constant 1024 : i32
    %add3A_25 = arith.addf %get3A_16, %scan3A_23 : vector<16xf32>
    %add3A_26 = arith.addf %broadcast_in_dim3A_3, %add3A_25 : vector<16xf32>
    %scan3A_27 = arith.constant 1 : i32
    %swap3A = arith.constant 0 : index
    %swap3A_28 = tpu.vector_load %arg20[%swap3A] {strides = array<i32>} : memref<16xf32, #tpu.memory_space<vmem>>, vector<16xf32>,
    %swap3A_29 = vector.shape_cast %swap3A_28 : vector<16xf32> to vector<16xf32>
    %swap3A_30 = vector.shape_cast %add3A_26 : vector<16xf32> to vector<16xf32>
    tpu.vector_store %arg20[%swap3A], %swap3A_30 {strides = array<i32>} : memref<16xf32, #tpu.memory_space<vmem>>, vector<16xf32>,
    "tpu.region"() ({
      %run_scoped3A = tpu.sem_alloc : memref<!tpu.dma_semaphore, #tpu.memory_space<semaphore_mem>>
      %dma_start3A = arith.constant 0 : i32
      %dma_start3A_37 = tpu.memref_slice %arg10[%add3A, %dma_start3A] : memref<32x16xf32, #tpu.memory_space<hbm>> -> memref<1x16xf32, #tpu.memory_space<hbm>>
      %dma_start3A_38 = tpu.memref_squeeze %dma_start3A_37 : memref<1x16xf32, #tpu.memory_space<hbm>> -> memref<16xf32, #tpu.memory_space<hbm>>
      %dma_start3A_39 = arith.constant 0 : i32
      %dma_start3A_40 = tpu.memref_slice %arg10[%add3A, %dma_start3A_39] : memref<32x16xf32, #tpu.memory_space<hbm>> -> memref<1x16xf32, #tpu.memory_space<hbm>>
      %dma_start3A_41 = tpu.memref_squeeze %dma_start3A_40 : memref<1x16xf32, #tpu.memory_space<hbm>> -> memref<16xf32, #tpu.memory_space<hbm>>
      tpu.enqueue_dma source(%arg20 : memref<16xf32, #tpu.memory_space<vmem>>) target(%dma_start3A_41 : memref<16xf32, #tpu.memory_space<hbm>>) target_semaphore(%run_scoped3A : memref<!tpu.dma_semaphore, #tpu.memory_space<semaphore_mem>>)
      %dma_wait3A = arith.constant 0 : i32
      %dma_wait3A_42 = tpu.memref_slice %arg10[%add3A, %dma_wait3A] : memref<32x16xf32, #tpu.memory_space<hbm>> -> memref<1x16xf32, #tpu.memory_space<hbm>>
      %dma_wait3A_43 = tpu.memref_squeeze %dma_wait3A_42 : memref<1x16xf32, #tpu.memory_space<hbm>> -> memref<16xf32, #tpu.memory_space<hbm>>
      %dma_wait3A_44 = arith.constant 0 : i32
      %dma_wait3A_45 = tpu.memref_slice %arg10[%add3A, %dma_wait3A_44] : memref<32x16xf32, #tpu.memory_space<hbm>> -> memref<1x16xf32, #tpu.memory_space<hbm>>
      %dma_wait3A_46 = tpu.memref_squeeze %dma_wait3A_45 : memref<1x16xf32, #tpu.memory_space<hbm>> -> memref<16xf32, #tpu.memory_space<hbm>>
      tpu.wait_dma2 semaphore(%run_scoped3A : memref<!tpu.dma_semaphore, #tpu.memory_space<semaphore_mem>>) src(%arg20 : memref<16xf32, #tpu.memory_space<vmem>>) dst(%dma_wait3A_46 : memref<16xf32, #tpu.memory_space<hbm>>)
      tpu.yield
    }) : () -> ()
    %scan3A_31 = arith.constant 0 : i32
    %scan3A_32 = arith.constant 0 : i32
    %scan3A_33 = arith.constant 1024 : i32
    %scan3A_34 = arith.addi %scan3A_32, %scan3A_33 : i32
    %scan3A_35 = arith.constant 1 : i32
    scf.for %scan3A_37 = %scan3A_32 to %scan3A_34 step %scan3A_35  : i32 {
      %mul3A_38 = arith.constant 16 : i32
      %mul3A_39 = arith.muli %scan3A_37, %mul3A_38 : i32
      %get3A_40 = arith.index_cast %mul3A_39 : i32 to index
      %get3A_41 = tpu.vector_load %arg16[%get3A_40] {strides = array<i32>} : memref<16384xf32, #tpu.memory_space<vmem>>, vector<16xf32>,
      %get3A_42 = vector.shape_cast %get3A_41 : vector<16xf32> to vector<16xf32>
      %get3A_43 = arith.index_cast %mul3A_39 : i32 to index
      %get3A_44 = tpu.vector_load %arg17[%get3A_43] {strides = array<i32>} : memref<16384xf32, #tpu.memory_space<vmem>>, vector<16xf32>,
      %get3A_45 = vector.shape_cast %get3A_44 : vector<16xf32> to vector<16xf32>
      %get3A_46 = arith.index_cast %mul3A_39 : i32 to index
      %get3A_47 = tpu.vector_load %arg18[%get3A_46] {strides = array<i32>} : memref<16384xf32, #tpu.memory_space<vmem>>, vector<16xf32>,
      %get3A_48 = vector.shape_cast %get3A_47 : vector<16xf32> to vector<16xf32>
      %broadcast_in_dim3A_49 = arith.constant 0x7F800000 : f32
      %broadcast_in_dim3A_50 = vector.broadcast %broadcast_in_dim3A_49 : f32 to vector<16xf32>
      %scan3A_51 = arith.constant 0 : i32
      %mul3A_52 = arith.constant 16 : i32
      %mul3A_53 = arith.muli %scan3A_51, %mul3A_52 : i32
      %get3A_54 = arith.index_cast %mul3A_53 : i32 to index
      %get3A_55 = tpu.vector_load %arg12[%get3A_54] {strides = array<i32>} : memref<16xf32, #tpu.memory_space<vmem>>, vector<16xf32>,
      %get3A_56 = vector.shape_cast %get3A_55 : vector<16xf32> to vector<16xf32>
      %get3A_57 = arith.index_cast %mul3A_53 : i32 to index
      %get3A_58 = tpu.vector_load %arg13[%get3A_57] {strides = array<i32>} : memref<16xf32, #tpu.memory_space<vmem>>, vector<16xf32>,
      %get3A_59 = vector.shape_cast %get3A_58 : vector<16xf32> to vector<16xf32>
      %get3A_60 = arith.index_cast %mul3A_53 : i32 to index
      %get3A_61 = tpu.vector_load %arg14[%get3A_60] {strides = array<i32>} : memref<16xf32, #tpu.memory_space<vmem>>, vector<16xf32>,
      %get3A_62 = vector.shape_cast %get3A_61 : vector<16xf32> to vector<16xf32>
      %get3A_63 = arith.index_cast %mul3A_53 : i32 to index
      %get3A_64 = tpu.vector_load %arg15[%get3A_63] {strides = array<i32>} : memref<16xf32, #tpu.memory_space<vmem>>, vector<16xf32>,
      %get3A_65 = vector.shape_cast %get3A_64 : vector<16xf32> to vector<16xf32>
      %slice3A = vector.extract_strided_slice %get3A_56 {offsets = [0], sizes = [1], strides = [1]} : vector<16xf32> to vector<1xf32>
      %squeeze3A = vector.extract %slice3A[0] : f32 from vector<1xf32>
      %mul3A_66 = vector.broadcast %squeeze3A : f32 to vector<16xf32>
      %mul3A_67 = arith.mulf %get3A_42, %mul3A_66 : vector<16xf32>
      %slice3A_68 = vector.extract_strided_slice %get3A_59 {offsets = [0], sizes = [1], strides = [1]} : vector<16xf32> to vector<1xf32>
      %squeeze3A_69 = vector.extract %slice3A_68[0] : f32 from vector<1xf32>
      %mul3A_70 = vector.broadcast %squeeze3A_69 : f32 to vector<16xf32>
      %mul3A_71 = arith.mulf %get3A_45, %mul3A_70 : vector<16xf32>
      %add3A_72 = arith.addf %mul3A_67, %mul3A_71 : vector<16xf32>
      %slice3A_73 = vector.extract_strided_slice %get3A_62 {offsets = [0], sizes = [1], strides = [1]} : vector<16xf32> to vector<1xf32>
      %squeeze3A_74 = vector.extract %slice3A_73[0] : f32 from vector<1xf32>
      %mul3A_75 = vector.broadcast %squeeze3A_74 : f32 to vector<16xf32>
      %mul3A_76 = arith.mulf %get3A_48, %mul3A_75 : vector<16xf32>
      %add3A_77 = arith.addf %add3A_72, %mul3A_76 : vector<16xf32>
      %slice3A_78 = vector.extract_strided_slice %get3A_65 {offsets = [0], sizes = [1], strides = [1]} : vector<16xf32> to vector<1xf32>
      %squeeze3A_79 = vector.extract %slice3A_78[0] : f32 from vector<1xf32>
      %add3A_80 = vector.broadcast %squeeze3A_79 : f32 to vector<16xf32>
      %add3A_81 = arith.addf %add3A_77, %add3A_80 : vector<16xf32>
      %min3A = arith.minimumf %broadcast_in_dim3A_50, %add3A_81 : vector<16xf32>
      %slice3A_82 = vector.extract_strided_slice %get3A_56 {offsets = [1], sizes = [1], strides = [1]} : vector<16xf32> to vector<1xf32>
      %squeeze3A_83 = vector.extract %slice3A_82[0] : f32 from vector<1xf32>
      %mul3A_84 = vector.broadcast %squeeze3A_83 : f32 to vector<16xf32>
      %mul3A_85 = arith.mulf %get3A_42, %mul3A_84 : vector<16xf32>
      %slice3A_86 = vector.extract_strided_slice %get3A_59 {offsets = [1], sizes = [1], strides = [1]} : vector<16xf32> to vector<1xf32>
      %squeeze3A_87 = vector.extract %slice3A_86[0] : f32 from vector<1xf32>
      %mul3A_88 = vector.broadcast %squeeze3A_87 : f32 to vector<16xf32>
      %mul3A_89 = arith.mulf %get3A_45, %mul3A_88 : vector<16xf32>
      %add3A_90 = arith.addf %mul3A_85, %mul3A_89 : vector<16xf32>
      %slice3A_91 = vector.extract_strided_slice %get3A_62 {offsets = [1], sizes = [1], strides = [1]} : vector<16xf32> to vector<1xf32>
      %squeeze3A_92 = vector.extract %slice3A_91[0] : f32 from vector<1xf32>
      %mul3A_93 = vector.broadcast %squeeze3A_92 : f32 to vector<16xf32>
      %mul3A_94 = arith.mulf %get3A_48, %mul3A_93 : vector<16xf32>
      %add3A_95 = arith.addf %add3A_90, %mul3A_94 : vector<16xf32>
      %slice3A_96 = vector.extract_strided_slice %get3A_65 {offsets = [1], sizes = [1], strides = [1]} : vector<16xf32> to vector<1xf32>
      %squeeze3A_97 = vector.extract %slice3A_96[0] : f32 from vector<1xf32>
      %add3A_98 = vector.broadcast %squeeze3A_97 : f32 to vector<16xf32>
      %add3A_99 = arith.addf %add3A_95, %add3A_98 : vector<16xf32>
      %min3A_100 = arith.minimumf %min3A, %add3A_99 : vector<16xf32>
      %slice3A_101 = vector.extract_strided_slice %get3A_56 {offsets = [2], sizes = [1], strides = [1]} : vector<16xf32> to vector<1xf32>
      %squeeze3A_102 = vector.extract %slice3A_101[0] : f32 from vector<1xf32>
      %mul3A_103 = vector.broadcast %squeeze3A_102 : f32 to vector<16xf32>
      %mul3A_104 = arith.mulf %get3A_42, %mul3A_103 : vector<16xf32>
      %slice3A_105 = vector.extract_strided_slice %get3A_59 {offsets = [2], sizes = [1], strides = [1]} : vector<16xf32> to vector<1xf32>
      %squeeze3A_106 = vector.extract %slice3A_105[0] : f32 from vector<1xf32>
      %mul3A_107 = vector.broadcast %squeeze3A_106 : f32 to vector<16xf32>
      %mul3A_108 = arith.mulf %get3A_45, %mul3A_107 : vector<16xf32>
      %add3A_109 = arith.addf %mul3A_104, %mul3A_108 : vector<16xf32>
      %slice3A_110 = vector.extract_strided_slice %get3A_62 {offsets = [2], sizes = [1], strides = [1]} : vector<16xf32> to vector<1xf32>
      %squeeze3A_111 = vector.extract %slice3A_110[0] : f32 from vector<1xf32>
      %mul3A_112 = vector.broadcast %squeeze3A_111 : f32 to vector<16xf32>
      %mul3A_113 = arith.mulf %get3A_48, %mul3A_112 : vector<16xf32>
      %add3A_114 = arith.addf %add3A_109, %mul3A_113 : vector<16xf32>
      %slice3A_115 = vector.extract_strided_slice %get3A_65 {offsets = [2], sizes = [1], strides = [1]} : vector<16xf32> to vector<1xf32>
      %squeeze3A_116 = vector.extract %slice3A_115[0] : f32 from vector<1xf32>
      %add3A_117 = vector.broadcast %squeeze3A_116 : f32 to vector<16xf32>
      %add3A_118 = arith.addf %add3A_114, %add3A_117 : vector<16xf32>
      %min3A_119 = arith.minimumf %min3A_100, %add3A_118 : vector<16xf32>
      %slice3A_120 = vector.extract_strided_slice %get3A_56 {offsets = [3], sizes = [1], strides = [1]} : vector<16xf32> to vector<1xf32>
      %squeeze3A_121 = vector.extract %slice3A_120[0] : f32 from vector<1xf32>
      %mul3A_122 = vector.broadcast %squeeze3A_121 : f32 to vector<16xf32>
      %mul3A_123 = arith.mulf %get3A_42, %mul3A_122 : vector<16xf32>
      %slice3A_124 = vector.extract_strided_slice %get3A_59 {offsets = [3], sizes = [1], strides = [1]} : vector<16xf32> to vector<1xf32>
      %squeeze3A_125 = vector.extract %slice3A_124[0] : f32 from vector<1xf32>
      %mul3A_126 = vector.broadcast %squeeze3A_125 : f32 to vector<16xf32>
      %mul3A_127 = arith.mulf %get3A_45, %mul3A_126 : vector<16xf32>
      %add3A_128 = arith.addf %mul3A_123, %mul3A_127 : vector<16xf32>
      %slice3A_129 = vector.extract_strided_slice %get3A_62 {offsets = [3], sizes = [1], strides = [1]} : vector<16xf32> to vector<1xf32>
      %squeeze3A_130 = vector.extract %slice3A_129[0] : f32 from vector<1xf32>
      %mul3A_131 = vector.broadcast %squeeze3A_130 : f32 to vector<16xf32>
      %mul3A_132 = arith.mulf %get3A_48, %mul3A_131 : vector<16xf32>
      %add3A_133 = arith.addf %add3A_128, %mul3A_132 : vector<16xf32>
      %slice3A_134 = vector.extract_strided_slice %get3A_65 {offsets = [3], sizes = [1], strides = [1]} : vector<16xf32> to vector<1xf32>
      %squeeze3A_135 = vector.extract %slice3A_134[0] : f32 from vector<1xf32>
      %add3A_136 = vector.broadcast %squeeze3A_135 : f32 to vector<16xf32>
      %add3A_137 = arith.addf %add3A_133, %add3A_136 : vector<16xf32>
      %min3A_138 = arith.minimumf %min3A_119, %add3A_137 : vector<16xf32>
      %slice3A_139 = vector.extract_strided_slice %get3A_56 {offsets = [4], sizes = [1], strides = [1]} : vector<16xf32> to vector<1xf32>
      %squeeze3A_140 = vector.extract %slice3A_139[0] : f32 from vector<1xf32>
      %mul3A_141 = vector.broadcast %squeeze3A_140 : f32 to vector<16xf32>
      %mul3A_142 = arith.mulf %get3A_42, %mul3A_141 : vector<16xf32>
      %slice3A_143 = vector.extract_strided_slice %get3A_59 {offsets = [4], sizes = [1], strides = [1]} : vector<16xf32> to vector<1xf32>
      %squeeze3A_144 = vector.extract %slice3A_143[0] : f32 from vector<1xf32>
      %mul3A_145 = vector.broadcast %squeeze3A_144 : f32 to vector<16xf32>
      %mul3A_146 = arith.mulf %get3A_45, %mul3A_145 : vector<16xf32>
      %add3A_147 = arith.addf %mul3A_142, %mul3A_146 : vector<16xf32>
      %slice3A_148 = vector.extract_strided_slice %get3A_62 {offsets = [4], sizes = [1], strides = [1]} : vector<16xf32> to vector<1xf32>
      %squeeze3A_149 = vector.extract %slice3A_148[0] : f32 from vector<1xf32>
      %mul3A_150 = vector.broadcast %squeeze3A_149 : f32 to vector<16xf32>
      %mul3A_151 = arith.mulf %get3A_48, %mul3A_150 : vector<16xf32>
      %add3A_152 = arith.addf %add3A_147, %mul3A_151 : vector<16xf32>
      %slice3A_153 = vector.extract_strided_slice %get3A_65 {offsets = [4], sizes = [1], strides = [1]} : vector<16xf32> to vector<1xf32>
      %squeeze3A_154 = vector.extract %slice3A_153[0] : f32 from vector<1xf32>
      %add3A_155 = vector.broadcast %squeeze3A_154 : f32 to vector<16xf32>
      %add3A_156 = arith.addf %add3A_152, %add3A_155 : vector<16xf32>
      %min3A_157 = arith.minimumf %min3A_138, %add3A_156 : vector<16xf32>
      %slice3A_158 = vector.extract_strided_slice %get3A_56 {offsets = [5], sizes = [1], strides = [1]} : vector<16xf32> to vector<1xf32>
      %squeeze3A_159 = vector.extract %slice3A_158[0] : f32 from vector<1xf32>
      %mul3A_160 = vector.broadcast %squeeze3A_159 : f32 to vector<16xf32>
      %mul3A_161 = arith.mulf %get3A_42, %mul3A_160 : vector<16xf32>
      %slice3A_162 = vector.extract_strided_slice %get3A_59 {offsets = [5], sizes = [1], strides = [1]} : vector<16xf32> to vector<1xf32>
      %squeeze3A_163 = vector.extract %slice3A_162[0] : f32 from vector<1xf32>
      %mul3A_164 = vector.broadcast %squeeze3A_163 : f32 to vector<16xf32>
      %mul3A_165 = arith.mulf %get3A_45, %mul3A_164 : vector<16xf32>
      %add3A_166 = arith.addf %mul3A_161, %mul3A_165 : vector<16xf32>
      %slice3A_167 = vector.extract_strided_slice %get3A_62 {offsets = [5], sizes = [1], strides = [1]} : vector<16xf32> to vector<1xf32>
      %squeeze3A_168 = vector.extract %slice3A_167[0] : f32 from vector<1xf32>
      %mul3A_169 = vector.broadcast %squeeze3A_168 : f32 to vector<16xf32>
      %mul3A_170 = arith.mulf %get3A_48, %mul3A_169 : vector<16xf32>
      %add3A_171 = arith.addf %add3A_166, %mul3A_170 : vector<16xf32>
      %slice3A_172 = vector.extract_strided_slice %get3A_65 {offsets = [5], sizes = [1], strides = [1]} : vector<16xf32> to vector<1xf32>
      %squeeze3A_173 = vector.extract %slice3A_172[0] : f32 from vector<1xf32>
      %add3A_174 = vector.broadcast %squeeze3A_173 : f32 to vector<16xf32>
      %add3A_175 = arith.addf %add3A_171, %add3A_174 : vector<16xf32>
      %min3A_176 = arith.minimumf %min3A_157, %add3A_175 : vector<16xf32>
      %slice3A_177 = vector.extract_strided_slice %get3A_56 {offsets = [6], sizes = [1], strides = [1]} : vector<16xf32> to vector<1xf32>
      %squeeze3A_178 = vector.extract %slice3A_177[0] : f32 from vector<1xf32>
      %mul3A_179 = vector.broadcast %squeeze3A_178 : f32 to vector<16xf32>
      %mul3A_180 = arith.mulf %get3A_42, %mul3A_179 : vector<16xf32>
      %slice3A_181 = vector.extract_strided_slice %get3A_59 {offsets = [6], sizes = [1], strides = [1]} : vector<16xf32> to vector<1xf32>
      %squeeze3A_182 = vector.extract %slice3A_181[0] : f32 from vector<1xf32>
      %mul3A_183 = vector.broadcast %squeeze3A_182 : f32 to vector<16xf32>
      %mul3A_184 = arith.mulf %get3A_45, %mul3A_183 : vector<16xf32>
      %add3A_185 = arith.addf %mul3A_180, %mul3A_184 : vector<16xf32>
      %slice3A_186 = vector.extract_strided_slice %get3A_62 {offsets = [6], sizes = [1], strides = [1]} : vector<16xf32> to vector<1xf32>
      %squeeze3A_187 = vector.extract %slice3A_186[0] : f32 from vector<1xf32>
      %mul3A_188 = vector.broadcast %squeeze3A_187 : f32 to vector<16xf32>
      %mul3A_189 = arith.mulf %get3A_48, %mul3A_188 : vector<16xf32>
      %add3A_190 = arith.addf %add3A_185, %mul3A_189 : vector<16xf32>
      %slice3A_191 = vector.extract_strided_slice %get3A_65 {offsets = [6], sizes = [1], strides = [1]} : vector<16xf32> to vector<1xf32>
      %squeeze3A_192 = vector.extract %slice3A_191[0] : f32 from vector<1xf32>
      %add3A_193 = vector.broadcast %squeeze3A_192 : f32 to vector<16xf32>
      %add3A_194 = arith.addf %add3A_190, %add3A_193 : vector<16xf32>
      %min3A_195 = arith.minimumf %min3A_176, %add3A_194 : vector<16xf32>
      %slice3A_196 = vector.extract_strided_slice %get3A_56 {offsets = [7], sizes = [1], strides = [1]} : vector<16xf32> to vector<1xf32>
      %squeeze3A_197 = vector.extract %slice3A_196[0] : f32 from vector<1xf32>
      %mul3A_198 = vector.broadcast %squeeze3A_197 : f32 to vector<16xf32>
      %mul3A_199 = arith.mulf %get3A_42, %mul3A_198 : vector<16xf32>
      %slice3A_200 = vector.extract_strided_slice %get3A_59 {offsets = [7], sizes = [1], strides = [1]} : vector<16xf32> to vector<1xf32>
      %squeeze3A_201 = vector.extract %slice3A_200[0] : f32 from vector<1xf32>
      %mul3A_202 = vector.broadcast %squeeze3A_201 : f32 to vector<16xf32>
      %mul3A_203 = arith.mulf %get3A_45, %mul3A_202 : vector<16xf32>
      %add3A_204 = arith.addf %mul3A_199, %mul3A_203 : vector<16xf32>
      %slice3A_205 = vector.extract_strided_slice %get3A_62 {offsets = [7], sizes = [1], strides = [1]} : vector<16xf32> to vector<1xf32>
      %squeeze3A_206 = vector.extract %slice3A_205[0] : f32 from vector<1xf32>
      %mul3A_207 = vector.broadcast %squeeze3A_206 : f32 to vector<16xf32>
      %mul3A_208 = arith.mulf %get3A_48, %mul3A_207 : vector<16xf32>
      %add3A_209 = arith.addf %add3A_204, %mul3A_208 : vector<16xf32>
      %slice3A_210 = vector.extract_strided_slice %get3A_65 {offsets = [7], sizes = [1], strides = [1]} : vector<16xf32> to vector<1xf32>
      %squeeze3A_211 = vector.extract %slice3A_210[0] : f32 from vector<1xf32>
      %add3A_212 = vector.broadcast %squeeze3A_211 : f32 to vector<16xf32>
      %add3A_213 = arith.addf %add3A_209, %add3A_212 : vector<16xf32>
      %min3A_214 = arith.minimumf %min3A_195, %add3A_213 : vector<16xf32>
      %slice3A_215 = vector.extract_strided_slice %get3A_56 {offsets = [8], sizes = [1], strides = [1]} : vector<16xf32> to vector<1xf32>
      %squeeze3A_216 = vector.extract %slice3A_215[0] : f32 from vector<1xf32>
      %mul3A_217 = vector.broadcast %squeeze3A_216 : f32 to vector<16xf32>
      %mul3A_218 = arith.mulf %get3A_42, %mul3A_217 : vector<16xf32>
      %slice3A_219 = vector.extract_strided_slice %get3A_59 {offsets = [8], sizes = [1], strides = [1]} : vector<16xf32> to vector<1xf32>
      %squeeze3A_220 = vector.extract %slice3A_219[0] : f32 from vector<1xf32>
      %mul3A_221 = vector.broadcast %squeeze3A_220 : f32 to vector<16xf32>
      %mul3A_222 = arith.mulf %get3A_45, %mul3A_221 : vector<16xf32>
      %add3A_223 = arith.addf %mul3A_218, %mul3A_222 : vector<16xf32>
      %slice3A_224 = vector.extract_strided_slice %get3A_62 {offsets = [8], sizes = [1], strides = [1]} : vector<16xf32> to vector<1xf32>
      %squeeze3A_225 = vector.extract %slice3A_224[0] : f32 from vector<1xf32>
      %mul3A_226 = vector.broadcast %squeeze3A_225 : f32 to vector<16xf32>
      %mul3A_227 = arith.mulf %get3A_48, %mul3A_226 : vector<16xf32>
      %add3A_228 = arith.addf %add3A_223, %mul3A_227 : vector<16xf32>
      %slice3A_229 = vector.extract_strided_slice %get3A_65 {offsets = [8], sizes = [1], strides = [1]} : vector<16xf32> to vector<1xf32>
      %squeeze3A_230 = vector.extract %slice3A_229[0] : f32 from vector<1xf32>
      %add3A_231 = vector.broadcast %squeeze3A_230 : f32 to vector<16xf32>
      %add3A_232 = arith.addf %add3A_228, %add3A_231 : vector<16xf32>
      %min3A_233 = arith.minimumf %min3A_214, %add3A_232 : vector<16xf32>
      %slice3A_234 = vector.extract_strided_slice %get3A_56 {offsets = [9], sizes = [1], strides = [1]} : vector<16xf32> to vector<1xf32>
      %squeeze3A_235 = vector.extract %slice3A_234[0] : f32 from vector<1xf32>
      %mul3A_236 = vector.broadcast %squeeze3A_235 : f32 to vector<16xf32>
      %mul3A_237 = arith.mulf %get3A_42, %mul3A_236 : vector<16xf32>
      %slice3A_238 = vector.extract_strided_slice %get3A_59 {offsets = [9], sizes = [1], strides = [1]} : vector<16xf32> to vector<1xf32>
      %squeeze3A_239 = vector.extract %slice3A_238[0] : f32 from vector<1xf32>
      %mul3A_240 = vector.broadcast %squeeze3A_239 : f32 to vector<16xf32>
      %mul3A_241 = arith.mulf %get3A_45, %mul3A_240 : vector<16xf32>
      %add3A_242 = arith.addf %mul3A_237, %mul3A_241 : vector<16xf32>
      %slice3A_243 = vector.extract_strided_slice %get3A_62 {offsets = [9], sizes = [1], strides = [1]} : vector<16xf32> to vector<1xf32>
      %squeeze3A_244 = vector.extract %slice3A_243[0] : f32 from vector<1xf32>
      %mul3A_245 = vector.broadcast %squeeze3A_244 : f32 to vector<16xf32>
      %mul3A_246 = arith.mulf %get3A_48, %mul3A_245 : vector<16xf32>
      %add3A_247 = arith.addf %add3A_242, %mul3A_246 : vector<16xf32>
      %slice3A_248 = vector.extract_strided_slice %get3A_65 {offsets = [9], sizes = [1], strides = [1]} : vector<16xf32> to vector<1xf32>
      %squeeze3A_249 = vector.extract %slice3A_248[0] : f32 from vector<1xf32>
      %add3A_250 = vector.broadcast %squeeze3A_249 : f32 to vector<16xf32>
      %add3A_251 = arith.addf %add3A_247, %add3A_250 : vector<16xf32>
      %min3A_252 = arith.minimumf %min3A_233, %add3A_251 : vector<16xf32>
      %slice3A_253 = vector.extract_strided_slice %get3A_56 {offsets = [10], sizes = [1], strides = [1]} : vector<16xf32> to vector<1xf32>
      %squeeze3A_254 = vector.extract %slice3A_253[0] : f32 from vector<1xf32>
      %mul3A_255 = vector.broadcast %squeeze3A_254 : f32 to vector<16xf32>
      %mul3A_256 = arith.mulf %get3A_42, %mul3A_255 : vector<16xf32>
      %slice3A_257 = vector.extract_strided_slice %get3A_59 {offsets = [10], sizes = [1], strides = [1]} : vector<16xf32> to vector<1xf32>
      %squeeze3A_258 = vector.extract %slice3A_257[0] : f32 from vector<1xf32>
      %mul3A_259 = vector.broadcast %squeeze3A_258 : f32 to vector<16xf32>
      %mul3A_260 = arith.mulf %get3A_45, %mul3A_259 : vector<16xf32>
      %add3A_261 = arith.addf %mul3A_256, %mul3A_260 : vector<16xf32>
      %slice3A_262 = vector.extract_strided_slice %get3A_62 {offsets = [10], sizes = [1], strides = [1]} : vector<16xf32> to vector<1xf32>
      %squeeze3A_263 = vector.extract %slice3A_262[0] : f32 from vector<1xf32>
      %mul3A_264 = vector.broadcast %squeeze3A_263 : f32 to vector<16xf32>
      %mul3A_265 = arith.mulf %get3A_48, %mul3A_264 : vector<16xf32>
      %add3A_266 = arith.addf %add3A_261, %mul3A_265 : vector<16xf32>
      %slice3A_267 = vector.extract_strided_slice %get3A_65 {offsets = [10], sizes = [1], strides = [1]} : vector<16xf32> to vector<1xf32>
      %squeeze3A_268 = vector.extract %slice3A_267[0] : f32 from vector<1xf32>
      %add3A_269 = vector.broadcast %squeeze3A_268 : f32 to vector<16xf32>
      %add3A_270 = arith.addf %add3A_266, %add3A_269 : vector<16xf32>
      %min3A_271 = arith.minimumf %min3A_252, %add3A_270 : vector<16xf32>
      %slice3A_272 = vector.extract_strided_slice %get3A_56 {offsets = [11], sizes = [1], strides = [1]} : vector<16xf32> to vector<1xf32>
      %squeeze3A_273 = vector.extract %slice3A_272[0] : f32 from vector<1xf32>
      %mul3A_274 = vector.broadcast %squeeze3A_273 : f32 to vector<16xf32>
      %mul3A_275 = arith.mulf %get3A_42, %mul3A_274 : vector<16xf32>
      %slice3A_276 = vector.extract_strided_slice %get3A_59 {offsets = [11], sizes = [1], strides = [1]} : vector<16xf32> to vector<1xf32>
      %squeeze3A_277 = vector.extract %slice3A_276[0] : f32 from vector<1xf32>
      %mul3A_278 = vector.broadcast %squeeze3A_277 : f32 to vector<16xf32>
      %mul3A_279 = arith.mulf %get3A_45, %mul3A_278 : vector<16xf32>
      %add3A_280 = arith.addf %mul3A_275, %mul3A_279 : vector<16xf32>
      %slice3A_281 = vector.extract_strided_slice %get3A_62 {offsets = [11], sizes = [1], strides = [1]} : vector<16xf32> to vector<1xf32>
      %squeeze3A_282 = vector.extract %slice3A_281[0] : f32 from vector<1xf32>
      %mul3A_283 = vector.broadcast %squeeze3A_282 : f32 to vector<16xf32>
      %mul3A_284 = arith.mulf %get3A_48, %mul3A_283 : vector<16xf32>
      %add3A_285 = arith.addf %add3A_280, %mul3A_284 : vector<16xf32>
      %slice3A_286 = vector.extract_strided_slice %get3A_65 {offsets = [11], sizes = [1], strides = [1]} : vector<16xf32> to vector<1xf32>
      %squeeze3A_287 = vector.extract %slice3A_286[0] : f32 from vector<1xf32>
      %add3A_288 = vector.broadcast %squeeze3A_287 : f32 to vector<16xf32>
      %add3A_289 = arith.addf %add3A_285, %add3A_288 : vector<16xf32>
      %min3A_290 = arith.minimumf %min3A_271, %add3A_289 : vector<16xf32>
      %slice3A_291 = vector.extract_strided_slice %get3A_56 {offsets = [12], sizes = [1], strides = [1]} : vector<16xf32> to vector<1xf32>
      %squeeze3A_292 = vector.extract %slice3A_291[0] : f32 from vector<1xf32>
      %mul3A_293 = vector.broadcast %squeeze3A_292 : f32 to vector<16xf32>
      %mul3A_294 = arith.mulf %get3A_42, %mul3A_293 : vector<16xf32>
      %slice3A_295 = vector.extract_strided_slice %get3A_59 {offsets = [12], sizes = [1], strides = [1]} : vector<16xf32> to vector<1xf32>
      %squeeze3A_296 = vector.extract %slice3A_295[0] : f32 from vector<1xf32>
      %mul3A_297 = vector.broadcast %squeeze3A_296 : f32 to vector<16xf32>
      %mul3A_298 = arith.mulf %get3A_45, %mul3A_297 : vector<16xf32>
      %add3A_299 = arith.addf %mul3A_294, %mul3A_298 : vector<16xf32>
      %slice3A_300 = vector.extract_strided_slice %get3A_62 {offsets = [12], sizes = [1], strides = [1]} : vector<16xf32> to vector<1xf32>
      %squeeze3A_301 = vector.extract %slice3A_300[0] : f32 from vector<1xf32>
      %mul3A_302 = vector.broadcast %squeeze3A_301 : f32 to vector<16xf32>
      %mul3A_303 = arith.mulf %get3A_48, %mul3A_302 : vector<16xf32>
      %add3A_304 = arith.addf %add3A_299, %mul3A_303 : vector<16xf32>
      %slice3A_305 = vector.extract_strided_slice %get3A_65 {offsets = [12], sizes = [1], strides = [1]} : vector<16xf32> to vector<1xf32>
      %squeeze3A_306 = vector.extract %slice3A_305[0] : f32 from vector<1xf32>
      %add3A_307 = vector.broadcast %squeeze3A_306 : f32 to vector<16xf32>
      %add3A_308 = arith.addf %add3A_304, %add3A_307 : vector<16xf32>
      %min3A_309 = arith.minimumf %min3A_290, %add3A_308 : vector<16xf32>
      %slice3A_310 = vector.extract_strided_slice %get3A_56 {offsets = [13], sizes = [1], strides = [1]} : vector<16xf32> to vector<1xf32>
      %squeeze3A_311 = vector.extract %slice3A_310[0] : f32 from vector<1xf32>
      %mul3A_312 = vector.broadcast %squeeze3A_311 : f32 to vector<16xf32>
      %mul3A_313 = arith.mulf %get3A_42, %mul3A_312 : vector<16xf32>
      %slice3A_314 = vector.extract_strided_slice %get3A_59 {offsets = [13], sizes = [1], strides = [1]} : vector<16xf32> to vector<1xf32>
      %squeeze3A_315 = vector.extract %slice3A_314[0] : f32 from vector<1xf32>
      %mul3A_316 = vector.broadcast %squeeze3A_315 : f32 to vector<16xf32>
      %mul3A_317 = arith.mulf %get3A_45, %mul3A_316 : vector<16xf32>
      %add3A_318 = arith.addf %mul3A_313, %mul3A_317 : vector<16xf32>
      %slice3A_319 = vector.extract_strided_slice %get3A_62 {offsets = [13], sizes = [1], strides = [1]} : vector<16xf32> to vector<1xf32>
      %squeeze3A_320 = vector.extract %slice3A_319[0] : f32 from vector<1xf32>
      %mul3A_321 = vector.broadcast %squeeze3A_320 : f32 to vector<16xf32>
      %mul3A_322 = arith.mulf %get3A_48, %mul3A_321 : vector<16xf32>
      %add3A_323 = arith.addf %add3A_318, %mul3A_322 : vector<16xf32>
      %slice3A_324 = vector.extract_strided_slice %get3A_65 {offsets = [13], sizes = [1], strides = [1]} : vector<16xf32> to vector<1xf32>
      %squeeze3A_325 = vector.extract %slice3A_324[0] : f32 from vector<1xf32>
      %add3A_326 = vector.broadcast %squeeze3A_325 : f32 to vector<16xf32>
      %add3A_327 = arith.addf %add3A_323, %add3A_326 : vector<16xf32>
      %min3A_328 = arith.minimumf %min3A_309, %add3A_327 : vector<16xf32>
      %slice3A_329 = vector.extract_strided_slice %get3A_56 {offsets = [14], sizes = [1], strides = [1]} : vector<16xf32> to vector<1xf32>
      %squeeze3A_330 = vector.extract %slice3A_329[0] : f32 from vector<1xf32>
      %mul3A_331 = vector.broadcast %squeeze3A_330 : f32 to vector<16xf32>
      %mul3A_332 = arith.mulf %get3A_42, %mul3A_331 : vector<16xf32>
      %slice3A_333 = vector.extract_strided_slice %get3A_59 {offsets = [14], sizes = [1], strides = [1]} : vector<16xf32> to vector<1xf32>
      %squeeze3A_334 = vector.extract %slice3A_333[0] : f32 from vector<1xf32>
      %mul3A_335 = vector.broadcast %squeeze3A_334 : f32 to vector<16xf32>
      %mul3A_336 = arith.mulf %get3A_45, %mul3A_335 : vector<16xf32>
      %add3A_337 = arith.addf %mul3A_332, %mul3A_336 : vector<16xf32>
      %slice3A_338 = vector.extract_strided_slice %get3A_62 {offsets = [14], sizes = [1], strides = [1]} : vector<16xf32> to vector<1xf32>
      %squeeze3A_339 = vector.extract %slice3A_338[0] : f32 from vector<1xf32>
      %mul3A_340 = vector.broadcast %squeeze3A_339 : f32 to vector<16xf32>
      %mul3A_341 = arith.mulf %get3A_48, %mul3A_340 : vector<16xf32>
      %add3A_342 = arith.addf %add3A_337, %mul3A_341 : vector<16xf32>
      %slice3A_343 = vector.extract_strided_slice %get3A_65 {offsets = [14], sizes = [1], strides = [1]} : vector<16xf32> to vector<1xf32>
      %squeeze3A_344 = vector.extract %slice3A_343[0] : f32 from vector<1xf32>
      %add3A_345 = vector.broadcast %squeeze3A_344 : f32 to vector<16xf32>
      %add3A_346 = arith.addf %add3A_342, %add3A_345 : vector<16xf32>
      %min3A_347 = arith.minimumf %min3A_328, %add3A_346 : vector<16xf32>
      %slice3A_348 = vector.extract_strided_slice %get3A_56 {offsets = [15], sizes = [1], strides = [1]} : vector<16xf32> to vector<1xf32>
      %squeeze3A_349 = vector.extract %slice3A_348[0] : f32 from vector<1xf32>
      %mul3A_350 = vector.broadcast %squeeze3A_349 : f32 to vector<16xf32>
      %mul3A_351 = arith.mulf %get3A_42, %mul3A_350 : vector<16xf32>
      %slice3A_352 = vector.extract_strided_slice %get3A_59 {offsets = [15], sizes = [1], strides = [1]} : vector<16xf32> to vector<1xf32>
      %squeeze3A_353 = vector.extract %slice3A_352[0] : f32 from vector<1xf32>
      %mul3A_354 = vector.broadcast %squeeze3A_353 : f32 to vector<16xf32>
      %mul3A_355 = arith.mulf %get3A_45, %mul3A_354 : vector<16xf32>
      %add3A_356 = arith.addf %mul3A_351, %mul3A_355 : vector<16xf32>
      %slice3A_357 = vector.extract_strided_slice %get3A_62 {offsets = [15], sizes = [1], strides = [1]} : vector<16xf32> to vector<1xf32>
      %squeeze3A_358 = vector.extract %slice3A_357[0] : f32 from vector<1xf32>
      %mul3A_359 = vector.broadcast %squeeze3A_358 : f32 to vector<16xf32>
      %mul3A_360 = arith.mulf %get3A_48, %mul3A_359 : vector<16xf32>
      %add3A_361 = arith.addf %add3A_356, %mul3A_360 : vector<16xf32>
      %slice3A_362 = vector.extract_strided_slice %get3A_65 {offsets = [15], sizes = [1], strides = [1]} : vector<16xf32> to vector<1xf32>
      %squeeze3A_363 = vector.extract %slice3A_362[0] : f32 from vector<1xf32>
      %add3A_364 = vector.broadcast %squeeze3A_363 : f32 to vector<16xf32>
      %add3A_365 = arith.addf %add3A_361, %add3A_364 : vector<16xf32>
      %min3A_366 = arith.minimumf %min3A_347, %add3A_365 : vector<16xf32>
      %scan3A_367 = arith.constant 1 : i32
      %swap3A_368 = arith.index_cast %mul3A_39 : i32 to index
      %swap3A_369 = tpu.vector_load %arg21[%swap3A_368] {strides = array<i32>} : memref<16384xf32, #tpu.memory_space<vmem>>, vector<16xf32>,
      %swap3A_370 = vector.shape_cast %swap3A_369 : vector<16xf32> to vector<16xf32>
      %swap3A_371 = vector.shape_cast %min3A_366 : vector<16xf32> to vector<16xf32>
      tpu.vector_store %arg21[%swap3A_368], %swap3A_371 {strides = array<i32>} : memref<16384xf32, #tpu.memory_space<vmem>>, vector<16xf32>,
    }
    %scan3A_36 = arith.constant 1024 : i32
    "tpu.region"() ({
      %run_scoped3A = tpu.sem_alloc : memref<!tpu.dma_semaphore, #tpu.memory_space<semaphore_mem>>
      %dma_start3A = arith.constant 0 : i32
      %dma_start3A_37 = tpu.memref_slice %arg11[%add3A, %dma_start3A] : memref<32x16384xf32, #tpu.memory_space<hbm>> -> memref<1x16384xf32, #tpu.memory_space<hbm>>
      %dma_start3A_38 = tpu.memref_squeeze %dma_start3A_37 : memref<1x16384xf32, #tpu.memory_space<hbm>> -> memref<16384xf32, #tpu.memory_space<hbm>>
      %dma_start3A_39 = arith.constant 0 : i32
      %dma_start3A_40 = tpu.memref_slice %arg11[%add3A, %dma_start3A_39] : memref<32x16384xf32, #tpu.memory_space<hbm>> -> memref<1x16384xf32, #tpu.memory_space<hbm>>
      %dma_start3A_41 = tpu.memref_squeeze %dma_start3A_40 : memref<1x16384xf32, #tpu.memory_space<hbm>> -> memref<16384xf32, #tpu.memory_space<hbm>>
      tpu.enqueue_dma source(%arg21 : memref<16384xf32, #tpu.memory_space<vmem>>) target(%dma_start3A_41 : memref<16384xf32, #tpu.memory_space<hbm>>) target_semaphore(%run_scoped3A : memref<!tpu.dma_semaphore, #tpu.memory_space<semaphore_mem>>)
      %dma_wait3A = arith.constant 0 : i32
      %dma_wait3A_42 = tpu.memref_slice %arg11[%add3A, %dma_wait3A] : memref<32x16384xf32, #tpu.memory_space<hbm>> -> memref<1x16384xf32, #tpu.memory_space<hbm>>
      %dma_wait3A_43 = tpu.memref_squeeze %dma_wait3A_42 : memref<1x16384xf32, #tpu.memory_space<hbm>> -> memref<16384xf32, #tpu.memory_space<hbm>>
      %dma_wait3A_44 = arith.constant 0 : i32
      %dma_wait3A_45 = tpu.memref_slice %arg11[%add3A, %dma_wait3A_44] : memref<32x16384xf32, #tpu.memory_space<hbm>> -> memref<1x16384xf32, #tpu.memory_space<hbm>>
      %dma_wait3A_46 = tpu.memref_squeeze %dma_wait3A_45 : memref<1x16384xf32, #tpu.memory_space<hbm>> -> memref<16384xf32, #tpu.memory_space<hbm>>
      tpu.wait_dma2 semaphore(%run_scoped3A : memref<!tpu.dma_semaphore, #tpu.memory_space<semaphore_mem>>) src(%arg21 : memref<16384xf32, #tpu.memory_space<vmem>>) dst(%dma_wait3A_46 : memref<16384xf32, #tpu.memory_space<hbm>>)
      tpu.yield
    }) : () -> ()
    return
  }
}

module attributes {stable_mosaic.version = 14 : i64} {
  func.func @_chamfer_body(%arg0: i32, %arg1: memref<512x8xbf16, #tpu.memory_space<vmem>>, %arg2: memref<512x1xf32, #tpu.memory_space<vmem>>, %arg3: memref<8x16384xbf16, #tpu.memory_space<vmem>>, %arg4: memref<1x16384xf32, #tpu.memory_space<vmem>>, %arg5: memref<1x16384xf32, #tpu.memory_space<vmem>>, %arg6: memref<1xf32, #tpu.memory_space<smem>>) attributes {dimension_semantics = [#tpu.dimension_semantics<arbitrary>], iteration_bounds = array<i64: 31>, scalar_prefetch = 0 : i64, scratch_operands = 0 : i64, tpu.core_type = #tpu.core_type<tc>, window_params = [{transform_indices = @transform_0, window_bounds = array<i64: 512, 8>}, {transform_indices = @transform_1, window_bounds = array<i64: 512, 1>}, {pipeline_mode = #tpu.pipeline_mode<synchronous>, transform_indices = @transform_2, window_bounds = array<i64: 8, 16384>}, {pipeline_mode = #tpu.pipeline_mode<synchronous>, transform_indices = @transform_3, window_bounds = array<i64: 1, 16384>}, {pipeline_mode = #tpu.pipeline_mode<synchronous>, transform_indices = @transform_4, window_bounds = array<i64: 1, 16384>}, {transform_indices = @transform_5, window_bounds = array<i64: 1>}]} {
    %eq3A = arith.constant 0 : i32
    %eq3A_0 = arith.cmpi eq, %arg0, %eq3A : i32
    %convert_element_type3A = arith.extui %eq3A_0 : i1 to i32
    %cond3A = arith.constant 0 : i32
    %cond3A_1 = arith.cmpi ne, %convert_element_type3A, %cond3A : i32
    scf.if %cond3A_1 {
      %broadcast_in_dim3A_221 = arith.constant 0x7F800000 : f32
      %broadcast_in_dim3A_222 = vector.broadcast %broadcast_in_dim3A_221 : f32 to vector<1x16384xf32>
      %swap3A_223 = arith.constant 0 : index
      %swap3A_224 = arith.constant 0 : index
      %swap3A_225 = vector.load %arg5[%swap3A_223, %swap3A_224] : memref<1x16384xf32, #tpu.memory_space<vmem>>, vector<1x16384xf32>
      tpu.vector_store %arg5[%swap3A_223, %swap3A_224], %broadcast_in_dim3A_222 {strides = array<i32>} : memref<1x16384xf32, #tpu.memory_space<vmem>>, vector<1x16384xf32>,
      %swap3A_226 = arith.constant 0.000000e+00 : f32
      %swap3A_227 = arith.constant 0 : index
      %swap3A_228 = memref.load %arg6[%swap3A_227] : memref<1xf32, #tpu.memory_space<smem>>
      memref.store %swap3A_226, %arg6[%swap3A_227] : memref<1xf32, #tpu.memory_space<smem>>
    } else {
    }
    %get3A = arith.constant 0 : index
    %get3A_2 = arith.constant 0 : index
    %get3A_3 = vector.load %arg1[%get3A, %get3A_2] : memref<512x8xbf16, #tpu.memory_space<vmem>>, vector<512x8xbf16>
    %get3A_4 = arith.constant 0 : index
    %get3A_5 = arith.constant 0 : index
    %get3A_6 = vector.load %arg2[%get3A_4, %get3A_5] : memref<512x1xf32, #tpu.memory_space<vmem>>, vector<512x1xf32>
    %broadcast_in_dim3A = arith.constant 0x7F800000 : f32
    %broadcast_in_dim3A_7 = vector.broadcast %broadcast_in_dim3A : f32 to vector<512x1xf32>
    %get3A_8 = arith.constant 0 : index
    %get3A_9 = arith.constant 0 : index
    %get3A_10 = vector.load %arg3[%get3A_8, %get3A_9] : memref<8x16384xbf16, #tpu.memory_space<vmem>>, vector<8x2048xbf16>
    %dot_general3A = arith.constant dense<0.000000e+00> : vector<512x2048xf32>
    %dot_general3A_11 = tpu.matmul %get3A_3, %get3A_10, %dot_general3A {dimension_numbers = #tpu.dot_dimension_numbers<[1], [0], [0], [1], [0, 0, 1, 1], [], []>, transpose_lhs_hint = false} : vector<512x8xbf16>, vector<8x2048xbf16>, vector<512x2048xf32> -> vector<512x2048xf32>
    %get3A_12 = arith.constant 0 : index
    %get3A_13 = arith.constant 0 : index
    %get3A_14 = vector.load %arg4[%get3A_12, %get3A_13] : memref<1x16384xf32, #tpu.memory_space<vmem>>, vector<1x2048xf32>
    %add3A = vector.broadcast %get3A_14 : vector<1x2048xf32> to vector<512x2048xf32>
    %add3A_15 = arith.addf %dot_general3A_11, %add3A : vector<512x2048xf32>
    %reduce_min3A = arith.constant dense<0x7F800000> : vector<512xf32>
    %reduce_min3A_16 = vector.multi_reduction <minimumf>, %add3A_15, %reduce_min3A [1] : vector<512x2048xf32> to vector<512xf32>
    %broadcast_in_dim3A_17 = vector.shape_cast %reduce_min3A_16 : vector<512xf32> to vector<512x1xf32>
    %min3A = arith.minimumf %broadcast_in_dim3A_7, %broadcast_in_dim3A_17 : vector<512x1xf32>
    %get3A_18 = arith.constant 0 : index
    %get3A_19 = arith.constant 0 : index
    %get3A_20 = vector.load %arg5[%get3A_18, %get3A_19] : memref<1x16384xf32, #tpu.memory_space<vmem>>, vector<1x2048xf32>
    %add3A_21 = vector.broadcast %get3A_6 : vector<512x1xf32> to vector<512x2048xf32>
    %add3A_22 = arith.addf %dot_general3A_11, %add3A_21 : vector<512x2048xf32>
    %reduce_min3A_23 = arith.constant dense<0x7F800000> : vector<2048xf32>
    %reduce_min3A_24 = vector.multi_reduction <minimumf>, %add3A_22, %reduce_min3A_23 [0] : vector<512x2048xf32> to vector<2048xf32>
    %broadcast_in_dim3A_25 = vector.shape_cast %reduce_min3A_24 : vector<2048xf32> to vector<1x2048xf32>
    %min3A_26 = arith.minimumf %get3A_20, %broadcast_in_dim3A_25 : vector<1x2048xf32>
    %swap3A = arith.constant 0 : index
    %swap3A_27 = arith.constant 0 : index
    %swap3A_28 = vector.load %arg5[%swap3A, %swap3A_27] : memref<1x16384xf32, #tpu.memory_space<vmem>>, vector<1x2048xf32>
    tpu.vector_store %arg5[%swap3A, %swap3A_27], %min3A_26 {strides = array<i32>} : memref<1x16384xf32, #tpu.memory_space<vmem>>, vector<1x2048xf32>,
    %get3A_29 = arith.constant 0 : index
    %get3A_30 = arith.constant 2048 : index
    %get3A_31 = vector.load %arg3[%get3A_29, %get3A_30] : memref<8x16384xbf16, #tpu.memory_space<vmem>>, vector<8x2048xbf16>
    %dot_general3A_32 = arith.constant dense<0.000000e+00> : vector<512x2048xf32>
    %dot_general3A_33 = tpu.matmul %get3A_3, %get3A_31, %dot_general3A_32 {dimension_numbers = #tpu.dot_dimension_numbers<[1], [0], [0], [1], [0, 0, 1, 1], [], []>, transpose_lhs_hint = false} : vector<512x8xbf16>, vector<8x2048xbf16>, vector<512x2048xf32> -> vector<512x2048xf32>
    %get3A_34 = arith.constant 0 : index
    %get3A_35 = arith.constant 2048 : index
    %get3A_36 = vector.load %arg4[%get3A_34, %get3A_35] : memref<1x16384xf32, #tpu.memory_space<vmem>>, vector<1x2048xf32>
    %add3A_37 = vector.broadcast %get3A_36 : vector<1x2048xf32> to vector<512x2048xf32>
    %add3A_38 = arith.addf %dot_general3A_33, %add3A_37 : vector<512x2048xf32>
    %reduce_min3A_39 = arith.constant dense<0x7F800000> : vector<512xf32>
    %reduce_min3A_40 = vector.multi_reduction <minimumf>, %add3A_38, %reduce_min3A_39 [1] : vector<512x2048xf32> to vector<512xf32>
    %broadcast_in_dim3A_41 = vector.shape_cast %reduce_min3A_40 : vector<512xf32> to vector<512x1xf32>
    %min3A_42 = arith.minimumf %min3A, %broadcast_in_dim3A_41 : vector<512x1xf32>
    %get3A_43 = arith.constant 0 : index
    %get3A_44 = arith.constant 2048 : index
    %get3A_45 = vector.load %arg5[%get3A_43, %get3A_44] : memref<1x16384xf32, #tpu.memory_space<vmem>>, vector<1x2048xf32>
    %add3A_46 = vector.broadcast %get3A_6 : vector<512x1xf32> to vector<512x2048xf32>
    %add3A_47 = arith.addf %dot_general3A_33, %add3A_46 : vector<512x2048xf32>
    %reduce_min3A_48 = arith.constant dense<0x7F800000> : vector<2048xf32>
    %reduce_min3A_49 = vector.multi_reduction <minimumf>, %add3A_47, %reduce_min3A_48 [0] : vector<512x2048xf32> to vector<2048xf32>
    %broadcast_in_dim3A_50 = vector.shape_cast %reduce_min3A_49 : vector<2048xf32> to vector<1x2048xf32>
    %min3A_51 = arith.minimumf %get3A_45, %broadcast_in_dim3A_50 : vector<1x2048xf32>
    %swap3A_52 = arith.constant 0 : index
    %swap3A_53 = arith.constant 2048 : index
    %swap3A_54 = vector.load %arg5[%swap3A_52, %swap3A_53] : memref<1x16384xf32, #tpu.memory_space<vmem>>, vector<1x2048xf32>
    tpu.vector_store %arg5[%swap3A_52, %swap3A_53], %min3A_51 {strides = array<i32>} : memref<1x16384xf32, #tpu.memory_space<vmem>>, vector<1x2048xf32>,
    %get3A_55 = arith.constant 0 : index
    %get3A_56 = arith.constant 4096 : index
    %get3A_57 = vector.load %arg3[%get3A_55, %get3A_56] : memref<8x16384xbf16, #tpu.memory_space<vmem>>, vector<8x2048xbf16>
    %dot_general3A_58 = arith.constant dense<0.000000e+00> : vector<512x2048xf32>
    %dot_general3A_59 = tpu.matmul %get3A_3, %get3A_57, %dot_general3A_58 {dimension_numbers = #tpu.dot_dimension_numbers<[1], [0], [0], [1], [0, 0, 1, 1], [], []>, transpose_lhs_hint = false} : vector<512x8xbf16>, vector<8x2048xbf16>, vector<512x2048xf32> -> vector<512x2048xf32>
    %get3A_60 = arith.constant 0 : index
    %get3A_61 = arith.constant 4096 : index
    %get3A_62 = vector.load %arg4[%get3A_60, %get3A_61] : memref<1x16384xf32, #tpu.memory_space<vmem>>, vector<1x2048xf32>
    %add3A_63 = vector.broadcast %get3A_62 : vector<1x2048xf32> to vector<512x2048xf32>
    %add3A_64 = arith.addf %dot_general3A_59, %add3A_63 : vector<512x2048xf32>
    %reduce_min3A_65 = arith.constant dense<0x7F800000> : vector<512xf32>
    %reduce_min3A_66 = vector.multi_reduction <minimumf>, %add3A_64, %reduce_min3A_65 [1] : vector<512x2048xf32> to vector<512xf32>
    %broadcast_in_dim3A_67 = vector.shape_cast %reduce_min3A_66 : vector<512xf32> to vector<512x1xf32>
    %min3A_68 = arith.minimumf %min3A_42, %broadcast_in_dim3A_67 : vector<512x1xf32>
    %get3A_69 = arith.constant 0 : index
    %get3A_70 = arith.constant 4096 : index
    %get3A_71 = vector.load %arg5[%get3A_69, %get3A_70] : memref<1x16384xf32, #tpu.memory_space<vmem>>, vector<1x2048xf32>
    %add3A_72 = vector.broadcast %get3A_6 : vector<512x1xf32> to vector<512x2048xf32>
    %add3A_73 = arith.addf %dot_general3A_59, %add3A_72 : vector<512x2048xf32>
    %reduce_min3A_74 = arith.constant dense<0x7F800000> : vector<2048xf32>
    %reduce_min3A_75 = vector.multi_reduction <minimumf>, %add3A_73, %reduce_min3A_74 [0] : vector<512x2048xf32> to vector<2048xf32>
    %broadcast_in_dim3A_76 = vector.shape_cast %reduce_min3A_75 : vector<2048xf32> to vector<1x2048xf32>
    %min3A_77 = arith.minimumf %get3A_71, %broadcast_in_dim3A_76 : vector<1x2048xf32>
    %swap3A_78 = arith.constant 0 : index
    %swap3A_79 = arith.constant 4096 : index
    %swap3A_80 = vector.load %arg5[%swap3A_78, %swap3A_79] : memref<1x16384xf32, #tpu.memory_space<vmem>>, vector<1x2048xf32>
    tpu.vector_store %arg5[%swap3A_78, %swap3A_79], %min3A_77 {strides = array<i32>} : memref<1x16384xf32, #tpu.memory_space<vmem>>, vector<1x2048xf32>,
    %get3A_81 = arith.constant 0 : index
    %get3A_82 = arith.constant 6144 : index
    %get3A_83 = vector.load %arg3[%get3A_81, %get3A_82] : memref<8x16384xbf16, #tpu.memory_space<vmem>>, vector<8x2048xbf16>
    %dot_general3A_84 = arith.constant dense<0.000000e+00> : vector<512x2048xf32>
    %dot_general3A_85 = tpu.matmul %get3A_3, %get3A_83, %dot_general3A_84 {dimension_numbers = #tpu.dot_dimension_numbers<[1], [0], [0], [1], [0, 0, 1, 1], [], []>, transpose_lhs_hint = false} : vector<512x8xbf16>, vector<8x2048xbf16>, vector<512x2048xf32> -> vector<512x2048xf32>
    %get3A_86 = arith.constant 0 : index
    %get3A_87 = arith.constant 6144 : index
    %get3A_88 = vector.load %arg4[%get3A_86, %get3A_87] : memref<1x16384xf32, #tpu.memory_space<vmem>>, vector<1x2048xf32>
    %add3A_89 = vector.broadcast %get3A_88 : vector<1x2048xf32> to vector<512x2048xf32>
    %add3A_90 = arith.addf %dot_general3A_85, %add3A_89 : vector<512x2048xf32>
    %reduce_min3A_91 = arith.constant dense<0x7F800000> : vector<512xf32>
    %reduce_min3A_92 = vector.multi_reduction <minimumf>, %add3A_90, %reduce_min3A_91 [1] : vector<512x2048xf32> to vector<512xf32>
    %broadcast_in_dim3A_93 = vector.shape_cast %reduce_min3A_92 : vector<512xf32> to vector<512x1xf32>
    %min3A_94 = arith.minimumf %min3A_68, %broadcast_in_dim3A_93 : vector<512x1xf32>
    %get3A_95 = arith.constant 0 : index
    %get3A_96 = arith.constant 6144 : index
    %get3A_97 = vector.load %arg5[%get3A_95, %get3A_96] : memref<1x16384xf32, #tpu.memory_space<vmem>>, vector<1x2048xf32>
    %add3A_98 = vector.broadcast %get3A_6 : vector<512x1xf32> to vector<512x2048xf32>
    %add3A_99 = arith.addf %dot_general3A_85, %add3A_98 : vector<512x2048xf32>
    %reduce_min3A_100 = arith.constant dense<0x7F800000> : vector<2048xf32>
    %reduce_min3A_101 = vector.multi_reduction <minimumf>, %add3A_99, %reduce_min3A_100 [0] : vector<512x2048xf32> to vector<2048xf32>
    %broadcast_in_dim3A_102 = vector.shape_cast %reduce_min3A_101 : vector<2048xf32> to vector<1x2048xf32>
    %min3A_103 = arith.minimumf %get3A_97, %broadcast_in_dim3A_102 : vector<1x2048xf32>
    %swap3A_104 = arith.constant 0 : index
    %swap3A_105 = arith.constant 6144 : index
    %swap3A_106 = vector.load %arg5[%swap3A_104, %swap3A_105] : memref<1x16384xf32, #tpu.memory_space<vmem>>, vector<1x2048xf32>
    tpu.vector_store %arg5[%swap3A_104, %swap3A_105], %min3A_103 {strides = array<i32>} : memref<1x16384xf32, #tpu.memory_space<vmem>>, vector<1x2048xf32>,
    %get3A_107 = arith.constant 0 : index
    %get3A_108 = arith.constant 8192 : index
    %get3A_109 = vector.load %arg3[%get3A_107, %get3A_108] : memref<8x16384xbf16, #tpu.memory_space<vmem>>, vector<8x2048xbf16>
    %dot_general3A_110 = arith.constant dense<0.000000e+00> : vector<512x2048xf32>
    %dot_general3A_111 = tpu.matmul %get3A_3, %get3A_109, %dot_general3A_110 {dimension_numbers = #tpu.dot_dimension_numbers<[1], [0], [0], [1], [0, 0, 1, 1], [], []>, transpose_lhs_hint = false} : vector<512x8xbf16>, vector<8x2048xbf16>, vector<512x2048xf32> -> vector<512x2048xf32>
    %get3A_112 = arith.constant 0 : index
    %get3A_113 = arith.constant 8192 : index
    %get3A_114 = vector.load %arg4[%get3A_112, %get3A_113] : memref<1x16384xf32, #tpu.memory_space<vmem>>, vector<1x2048xf32>
    %add3A_115 = vector.broadcast %get3A_114 : vector<1x2048xf32> to vector<512x2048xf32>
    %add3A_116 = arith.addf %dot_general3A_111, %add3A_115 : vector<512x2048xf32>
    %reduce_min3A_117 = arith.constant dense<0x7F800000> : vector<512xf32>
    %reduce_min3A_118 = vector.multi_reduction <minimumf>, %add3A_116, %reduce_min3A_117 [1] : vector<512x2048xf32> to vector<512xf32>
    %broadcast_in_dim3A_119 = vector.shape_cast %reduce_min3A_118 : vector<512xf32> to vector<512x1xf32>
    %min3A_120 = arith.minimumf %min3A_94, %broadcast_in_dim3A_119 : vector<512x1xf32>
    %get3A_121 = arith.constant 0 : index
    %get3A_122 = arith.constant 8192 : index
    %get3A_123 = vector.load %arg5[%get3A_121, %get3A_122] : memref<1x16384xf32, #tpu.memory_space<vmem>>, vector<1x2048xf32>
    %add3A_124 = vector.broadcast %get3A_6 : vector<512x1xf32> to vector<512x2048xf32>
    %add3A_125 = arith.addf %dot_general3A_111, %add3A_124 : vector<512x2048xf32>
    %reduce_min3A_126 = arith.constant dense<0x7F800000> : vector<2048xf32>
    %reduce_min3A_127 = vector.multi_reduction <minimumf>, %add3A_125, %reduce_min3A_126 [0] : vector<512x2048xf32> to vector<2048xf32>
    %broadcast_in_dim3A_128 = vector.shape_cast %reduce_min3A_127 : vector<2048xf32> to vector<1x2048xf32>
    %min3A_129 = arith.minimumf %get3A_123, %broadcast_in_dim3A_128 : vector<1x2048xf32>
    %swap3A_130 = arith.constant 0 : index
    %swap3A_131 = arith.constant 8192 : index
    %swap3A_132 = vector.load %arg5[%swap3A_130, %swap3A_131] : memref<1x16384xf32, #tpu.memory_space<vmem>>, vector<1x2048xf32>
    tpu.vector_store %arg5[%swap3A_130, %swap3A_131], %min3A_129 {strides = array<i32>} : memref<1x16384xf32, #tpu.memory_space<vmem>>, vector<1x2048xf32>,
    %get3A_133 = arith.constant 0 : index
    %get3A_134 = arith.constant 10240 : index
    %get3A_135 = vector.load %arg3[%get3A_133, %get3A_134] : memref<8x16384xbf16, #tpu.memory_space<vmem>>, vector<8x2048xbf16>
    %dot_general3A_136 = arith.constant dense<0.000000e+00> : vector<512x2048xf32>
    %dot_general3A_137 = tpu.matmul %get3A_3, %get3A_135, %dot_general3A_136 {dimension_numbers = #tpu.dot_dimension_numbers<[1], [0], [0], [1], [0, 0, 1, 1], [], []>, transpose_lhs_hint = false} : vector<512x8xbf16>, vector<8x2048xbf16>, vector<512x2048xf32> -> vector<512x2048xf32>
    %get3A_138 = arith.constant 0 : index
    %get3A_139 = arith.constant 10240 : index
    %get3A_140 = vector.load %arg4[%get3A_138, %get3A_139] : memref<1x16384xf32, #tpu.memory_space<vmem>>, vector<1x2048xf32>
    %add3A_141 = vector.broadcast %get3A_140 : vector<1x2048xf32> to vector<512x2048xf32>
    %add3A_142 = arith.addf %dot_general3A_137, %add3A_141 : vector<512x2048xf32>
    %reduce_min3A_143 = arith.constant dense<0x7F800000> : vector<512xf32>
    %reduce_min3A_144 = vector.multi_reduction <minimumf>, %add3A_142, %reduce_min3A_143 [1] : vector<512x2048xf32> to vector<512xf32>
    %broadcast_in_dim3A_145 = vector.shape_cast %reduce_min3A_144 : vector<512xf32> to vector<512x1xf32>
    %min3A_146 = arith.minimumf %min3A_120, %broadcast_in_dim3A_145 : vector<512x1xf32>
    %get3A_147 = arith.constant 0 : index
    %get3A_148 = arith.constant 10240 : index
    %get3A_149 = vector.load %arg5[%get3A_147, %get3A_148] : memref<1x16384xf32, #tpu.memory_space<vmem>>, vector<1x2048xf32>
    %add3A_150 = vector.broadcast %get3A_6 : vector<512x1xf32> to vector<512x2048xf32>
    %add3A_151 = arith.addf %dot_general3A_137, %add3A_150 : vector<512x2048xf32>
    %reduce_min3A_152 = arith.constant dense<0x7F800000> : vector<2048xf32>
    %reduce_min3A_153 = vector.multi_reduction <minimumf>, %add3A_151, %reduce_min3A_152 [0] : vector<512x2048xf32> to vector<2048xf32>
    %broadcast_in_dim3A_154 = vector.shape_cast %reduce_min3A_153 : vector<2048xf32> to vector<1x2048xf32>
    %min3A_155 = arith.minimumf %get3A_149, %broadcast_in_dim3A_154 : vector<1x2048xf32>
    %swap3A_156 = arith.constant 0 : index
    %swap3A_157 = arith.constant 10240 : index
    %swap3A_158 = vector.load %arg5[%swap3A_156, %swap3A_157] : memref<1x16384xf32, #tpu.memory_space<vmem>>, vector<1x2048xf32>
    tpu.vector_store %arg5[%swap3A_156, %swap3A_157], %min3A_155 {strides = array<i32>} : memref<1x16384xf32, #tpu.memory_space<vmem>>, vector<1x2048xf32>,
    %get3A_159 = arith.constant 0 : index
    %get3A_160 = arith.constant 12288 : index
    %get3A_161 = vector.load %arg3[%get3A_159, %get3A_160] : memref<8x16384xbf16, #tpu.memory_space<vmem>>, vector<8x2048xbf16>
    %dot_general3A_162 = arith.constant dense<0.000000e+00> : vector<512x2048xf32>
    %dot_general3A_163 = tpu.matmul %get3A_3, %get3A_161, %dot_general3A_162 {dimension_numbers = #tpu.dot_dimension_numbers<[1], [0], [0], [1], [0, 0, 1, 1], [], []>, transpose_lhs_hint = false} : vector<512x8xbf16>, vector<8x2048xbf16>, vector<512x2048xf32> -> vector<512x2048xf32>
    %get3A_164 = arith.constant 0 : index
    %get3A_165 = arith.constant 12288 : index
    %get3A_166 = vector.load %arg4[%get3A_164, %get3A_165] : memref<1x16384xf32, #tpu.memory_space<vmem>>, vector<1x2048xf32>
    %add3A_167 = vector.broadcast %get3A_166 : vector<1x2048xf32> to vector<512x2048xf32>
    %add3A_168 = arith.addf %dot_general3A_163, %add3A_167 : vector<512x2048xf32>
    %reduce_min3A_169 = arith.constant dense<0x7F800000> : vector<512xf32>
    %reduce_min3A_170 = vector.multi_reduction <minimumf>, %add3A_168, %reduce_min3A_169 [1] : vector<512x2048xf32> to vector<512xf32>
    %broadcast_in_dim3A_171 = vector.shape_cast %reduce_min3A_170 : vector<512xf32> to vector<512x1xf32>
    %min3A_172 = arith.minimumf %min3A_146, %broadcast_in_dim3A_171 : vector<512x1xf32>
    %get3A_173 = arith.constant 0 : index
    %get3A_174 = arith.constant 12288 : index
    %get3A_175 = vector.load %arg5[%get3A_173, %get3A_174] : memref<1x16384xf32, #tpu.memory_space<vmem>>, vector<1x2048xf32>
    %add3A_176 = vector.broadcast %get3A_6 : vector<512x1xf32> to vector<512x2048xf32>
    %add3A_177 = arith.addf %dot_general3A_163, %add3A_176 : vector<512x2048xf32>
    %reduce_min3A_178 = arith.constant dense<0x7F800000> : vector<2048xf32>
    %reduce_min3A_179 = vector.multi_reduction <minimumf>, %add3A_177, %reduce_min3A_178 [0] : vector<512x2048xf32> to vector<2048xf32>
    %broadcast_in_dim3A_180 = vector.shape_cast %reduce_min3A_179 : vector<2048xf32> to vector<1x2048xf32>
    %min3A_181 = arith.minimumf %get3A_175, %broadcast_in_dim3A_180 : vector<1x2048xf32>
    %swap3A_182 = arith.constant 0 : index
    %swap3A_183 = arith.constant 12288 : index
    %swap3A_184 = vector.load %arg5[%swap3A_182, %swap3A_183] : memref<1x16384xf32, #tpu.memory_space<vmem>>, vector<1x2048xf32>
    tpu.vector_store %arg5[%swap3A_182, %swap3A_183], %min3A_181 {strides = array<i32>} : memref<1x16384xf32, #tpu.memory_space<vmem>>, vector<1x2048xf32>,
    %get3A_185 = arith.constant 0 : index
    %get3A_186 = arith.constant 14336 : index
    %get3A_187 = vector.load %arg3[%get3A_185, %get3A_186] : memref<8x16384xbf16, #tpu.memory_space<vmem>>, vector<8x2048xbf16>
    %dot_general3A_188 = arith.constant dense<0.000000e+00> : vector<512x2048xf32>
    %dot_general3A_189 = tpu.matmul %get3A_3, %get3A_187, %dot_general3A_188 {dimension_numbers = #tpu.dot_dimension_numbers<[1], [0], [0], [1], [0, 0, 1, 1], [], []>, transpose_lhs_hint = false} : vector<512x8xbf16>, vector<8x2048xbf16>, vector<512x2048xf32> -> vector<512x2048xf32>
    %get3A_190 = arith.constant 0 : index
    %get3A_191 = arith.constant 14336 : index
    %get3A_192 = vector.load %arg4[%get3A_190, %get3A_191] : memref<1x16384xf32, #tpu.memory_space<vmem>>, vector<1x2048xf32>
    %add3A_193 = vector.broadcast %get3A_192 : vector<1x2048xf32> to vector<512x2048xf32>
    %add3A_194 = arith.addf %dot_general3A_189, %add3A_193 : vector<512x2048xf32>
    %reduce_min3A_195 = arith.constant dense<0x7F800000> : vector<512xf32>
    %reduce_min3A_196 = vector.multi_reduction <minimumf>, %add3A_194, %reduce_min3A_195 [1] : vector<512x2048xf32> to vector<512xf32>
    %broadcast_in_dim3A_197 = vector.shape_cast %reduce_min3A_196 : vector<512xf32> to vector<512x1xf32>
    %min3A_198 = arith.minimumf %min3A_172, %broadcast_in_dim3A_197 : vector<512x1xf32>
    %get3A_199 = arith.constant 0 : index
    %get3A_200 = arith.constant 14336 : index
    %get3A_201 = vector.load %arg5[%get3A_199, %get3A_200] : memref<1x16384xf32, #tpu.memory_space<vmem>>, vector<1x2048xf32>
    %add3A_202 = vector.broadcast %get3A_6 : vector<512x1xf32> to vector<512x2048xf32>
    %add3A_203 = arith.addf %dot_general3A_189, %add3A_202 : vector<512x2048xf32>
    %reduce_min3A_204 = arith.constant dense<0x7F800000> : vector<2048xf32>
    %reduce_min3A_205 = vector.multi_reduction <minimumf>, %add3A_203, %reduce_min3A_204 [0] : vector<512x2048xf32> to vector<2048xf32>
    %broadcast_in_dim3A_206 = vector.shape_cast %reduce_min3A_205 : vector<2048xf32> to vector<1x2048xf32>
    %min3A_207 = arith.minimumf %get3A_201, %broadcast_in_dim3A_206 : vector<1x2048xf32>
    %swap3A_208 = arith.constant 0 : index
    %swap3A_209 = arith.constant 14336 : index
    %swap3A_210 = vector.load %arg5[%swap3A_208, %swap3A_209] : memref<1x16384xf32, #tpu.memory_space<vmem>>, vector<1x2048xf32>
    tpu.vector_store %arg5[%swap3A_208, %swap3A_209], %min3A_207 {strides = array<i32>} : memref<1x16384xf32, #tpu.memory_space<vmem>>, vector<1x2048xf32>,
    %get3A_211 = arith.constant 0 : index
    %get3A_212 = memref.load %arg6[%get3A_211] : memref<1xf32, #tpu.memory_space<smem>>
    %add3A_213 = arith.addf %min3A_198, %get3A_6 : vector<512x1xf32>
    %reduce_sum3A = vector.shape_cast %add3A_213 : vector<512x1xf32> to vector<1x512x1xf32>
    %reduce_sum3A_214 = arith.constant dense<0.000000e+00> : vector<1xf32>
    %reduce_sum3A_215 = vector.multi_reduction <add>, %reduce_sum3A, %reduce_sum3A_214 [1, 2] : vector<1x512x1xf32> to vector<1xf32>
    %reduce_sum3A_216 = vector.shape_cast %reduce_sum3A_215 : vector<1xf32> to vector<1x1x1xf32>
    %reduce_sum3A_217 = vector.extract %reduce_sum3A_216[0, 0, 0] : f32 from vector<1x1x1xf32>
    %add3A_218 = arith.addf %get3A_212, %reduce_sum3A_217 : f32
    %swap3A_219 = arith.constant 0 : index
    %swap3A_220 = memref.load %arg6[%swap3A_219] : memref<1xf32, #tpu.memory_space<smem>>
    memref.store %add3A_218, %arg6[%swap3A_219] : memref<1xf32, #tpu.memory_space<smem>>
    return
  }
  func.func @transform_0(%arg0: i32) -> (i32, i32) {
    %c0_i32 = arith.constant 0 : i32
    %c0_i32_0 = arith.constant 0 : i32
    return %arg0, %c0_i32 : i32, i32
  }
  func.func @transform_1(%arg0: i32) -> (i32, i32) {
    %c0_i32 = arith.constant 0 : i32
    %c0_i32_0 = arith.constant 0 : i32
    return %arg0, %c0_i32 : i32, i32
  }
  func.func @transform_2(%arg0: i32) -> (i32, i32) {
    %c0_i32 = arith.constant 0 : i32
    %c0_i32_0 = arith.constant 0 : i32
    %c0_i32_1 = arith.constant 0 : i32
    return %c0_i32, %c0_i32_0 : i32, i32
  }
  func.func @transform_3(%arg0: i32) -> (i32, i32) {
    %c0_i32 = arith.constant 0 : i32
    %c0_i32_0 = arith.constant 0 : i32
    %c0_i32_1 = arith.constant 0 : i32
    return %c0_i32, %c0_i32_0 : i32, i32
  }
  func.func @transform_4(%arg0: i32) -> (i32, i32) {
    %c0_i32 = arith.constant 0 : i32
    %c0_i32_0 = arith.constant 0 : i32
    %c0_i32_1 = arith.constant 0 : i32
    return %c0_i32, %c0_i32_0 : i32, i32
  }
  func.func @transform_5(%arg0: i32) -> i32 {
    %c0_i32 = arith.constant 0 : i32
    %c0_i32_0 = arith.constant 0 : i32
    return %c0_i32 : i32
  }
}

</mosaic_0001>

<sc_bundles>
// kernel: kernel.4.cloned.1.call-start
scs
__scs_entry_jumppad:
0x0: {  	(pc) =	sbr.rel $0x88, $3  }
0x1: {  	(tag) =	ssettag $0x0;
	lr =	simm.s32 $0x1  }
0x2: {  	[smem:$0x3F9D] =	sst lr;
	_ =	strace $0xD0000000  }
0x3: {  	_ = 	snop  }
0x4: {  	_ = 	snop  }
0x5: {  	_ = 	snop  }
0x6: {  	_ = 	snop  }
0x7: {  	_ = 	snop  }
__scs_overlays_trampoline_lowered:
0x8: {  	[smem:$0x3FAC] =	sst s0  }
0x9: {  	[smem:$0x3FAD] =	sst s1  }
0xa: {  	[smem:$0x3FAE] =	sst s2  }
0xb: {  	[smem:$0x3FAF] =	sst s3  }
0xc: {  	[smem:$0x3FB0] =	sst s4  }
0xd: {  	[smem:$0x3FB1] =	sst s5  }
0xe: {  	[smem:$0x3FB2] =	sst s6  }
0xf: {  	[smem:$0x3FB3] =	sst s7  }
0x10: {  	[smem:$0x3FB4] =	sst s8  }
0x11: {  	[smem:$0x3FB5] =	sst s9;
	s0 =	simm.s32 @!p0 $0x0  }
0x12: {  	s1 =	sld [smem:$0x3F9B];
	s0 =	simm.s32 @p0 $0x1  }
0x13: {  	[smem:$0x3FB6] =	sst s0;
	s0 =	simm.s32 @!p1 $0x0  }
0x14: {  	s2 =	sld [smem:$0x3F9A];
	s0 =	simm.s32 @p1 $0x1  }
0x15: {  	[smem:$0x3FB7] =	sst s0;
	s0 =	simm.s32 @!p2 $0x0  }
0x16: {  	s3 =	sld [smem:$0x3FDB];
	s0 =	simm.s32 @p2 $0x1  }
0x17: {  	s4 =	simm.s32 $0x1BF5;
	[smem:$0x3FB9] =	sst s0  }
0x18: {  	s0 =	sld [smem:$0x3F9C];
	_ =	swait.ge [sflag:s4], $0x0  }
0x19: {  	s7 =	sld [smem:$0x3F9D]  }
0x1a: {  	s8 =	sadd.s32 $0xFFFFE003, lr  }
0x1b: {  	s9 =	sadd.s32 $0xFFFFFEF7, lr;
	s5 =	simm.s32 $0xFFFFFFFF;
	p2 =	slt.u32 s8, $0xFFFFF086  }
0x1c: {  	p1 =	slt.u32 s9, $0xF7A;
	s5 =	simm.s32 @!p2 $0x0  }
0x1d: {  	s5 =	simm.s32 @p1 $0x1;
	p0 =	seq.s32 s7, s2  }
0x1e: {  	s7 =	smul.u32 @!p0 $0xF7A, s2;
	p2 =	seq.s32 @!p0 s5, $0x0  }
0x1f: {  	s9 =	smul.u32 $0xF7A, s1;
	s8 =	simm.s32 @!p0 $0x1BF5;
	p2 =	por !p2, p0  }
0x20: {  	[sflag:s8] =	ssyncset.s32 @!p0 $0xFFFFF086;
	s6 =	sadd.s32 @!p0 s3, s7;
	s7 =	simm.s32 @!p0 $0x108  }
0x21: {  	s3 =	sadd.s32 s3, s9;
	s6 =	sadd.s32 @!p0 $0x88, s6;
	s7 =	simm.s32 @p2 $0x1082  }
0x22: {  	[simem:s7], [sflag:s8] =	dma.local @!p0 [hbm:s6], $0xF7A  }
0x23: {  	s9 =	sor.u32 $0xD0000000, s2;
	s6 =	simm.s32 $0x108;
	_ =	swait.ge @!p0 [sflag:s8], $0x0  }
0x24: {  	s3 =	sadd.s32 $0x88, s3;
	s6 =	simm.s32 @!p1 $0x1082;
	[sflag:s4] =	ssyncset.s32 $0xFFFFF086  }
0x25: {  	[simem:s6], [sflag:s4] =	dma.local [hbm:s3], $0xF7A  }
0x26: {  	[smem:$0x3F9D] =	sst s1;
	(tag) =	ssettag s2;
	_ =	strace s9  }
0x27: {  	s1 =	sld [smem:$0x3FAD]  }
0x28: {  	s2 =	sld [smem:$0x3FAE]  }
0x29: {  	s4 =	sld [smem:$0x3FB0]  }
0x2a: {  	p0 =	seq.s32 s5, $0x0;
	s5 =	sld [smem:$0x3FB1]  }
0x2b: {  	s6 =	sld [smem:$0x3FB2]  }
0x2c: {  	s7 =	sld [smem:$0x3FB3]  }
0x2d: {  	s3 =	simm.s32 $0x108;
	s8 =	sld [smem:$0x3FB4]  }
0x2e: {  	s3 =	simm.s32 @!p0 $0x1082;
	s9 =	sld [smem:$0x3FB5]  }
0x2f: {  	lr =	sadd.s32 s0, s3;
	s0 =	sld [smem:$0x3FAC]  }
0x30: {  	s3 =	sld [smem:$0x3FAF]  }
0x31: {  	[smem:$0x3FB8] =	sst s10  }
0x32: {  	s10 =	sld [smem:$0x3FB6];
	_ =	sdelay $0x3  }
0x33: {  	p0 =	seq.s32 s10, $0x1;
	s10 =	sld [smem:$0x3FB8];
	_ =	sdelay $0x3  }
0x34: {  	[smem:$0x3FB8] =	sst s10  }
0x35: {  	s10 =	sld [smem:$0x3FB7];
	_ =	sdelay $0x3  }
0x36: {  	p1 =	seq.s32 s10, $0x1;
	s10 =	sld [smem:$0x3FB8];
	_ =	sdelay $0x3  }
0x37: {  	[smem:$0x3FB8] =	sst s10  }
0x38: {  	s10 =	sld [smem:$0x3FB9]  }
0x39: {  	_ = 	snop;
	(pc) =	sbr.ind lr, $3  }
0x3a: {  	_ = 	snop  }
0x3b: {  	_ = 	snop  }
0x3c: {  	p2 =	seq.s32 s10, $0x1;
	s10 =	sld [smem:$0x3FB8]  }
0x3d: {  	_ =	shalt  }
0x3e: {  	_ =	shalt  }
0x3f: {  	_ =	shalt  }
0x40: {  	_ =	shalt  }
0x41: {  	_ =	shalt  }
0x42: {  	_ =	shalt  }
0x43: {  	_ =	shalt  }
0x44: {  	_ =	shalt  }
0x45: {  	_ =	shalt  }
0x46: {  	_ =	shalt  }
0x47: {  	_ =	shalt  }
0x48: {  	_ =	shalt  }
0x49: {  	_ =	shalt  }
0x4a: {  	_ =	shalt  }
0x4b: {  	_ =	shalt  }
0x4c: {  	_ =	shalt  }
0x4d: {  	_ =	shalt  }
0x4e: {  	_ =	shalt  }
0x4f: {  	_ =	shalt  }
0x50: {  	_ =	shalt  }
0x51: {  	_ =	shalt  }
0x52: {  	_ =	shalt  }
0x53: {  	_ =	shalt  }
0x54: {  	_ =	shalt  }
0x55: {  	_ =	shalt  }
0x56: {  	_ =	shalt  }
0x57: {  	_ =	shalt  }
0x58: {  	_ =	shalt  }
0x59: {  	_ =	shalt  }
0x5a: {  	_ =	shalt  }
0x5b: {  	_ =	shalt  }
0x5c: {  	_ =	shalt  }
0x5d: {  	_ =	shalt  }
0x5e: {  	_ =	shalt  }
0x5f: {  	_ =	shalt  }
0x60: {  	_ =	shalt  }
0x61: {  	_ =	shalt  }
0x62: {  	_ =	shalt  }
0x63: {  	_ =	shalt  }
0x64: {  	_ =	shalt  }
0x65: {  	_ =	shalt  }
0x66: {  	_ =	shalt  }
0x67: {  	_ =	shalt  }
0x68: {  	_ =	shalt  }
0x69: {  	_ =	shalt  }
0x6a: {  	_ =	shalt  }
0x6b: {  	_ =	shalt  }
0x6c: {  	_ =	shalt  }
0x6d: {  	_ =	shalt  }
0x6e: {  	_ =	shalt  }
0x6f: {  	_ =	shalt  }
0x70: {  	_ =	shalt  }
0x71: {  	_ =	shalt  }
0x72: {  	_ =	shalt  }
0x73: {  	_ =	shalt  }
0x74: {  	_ =	shalt  }
0x75: {  	_ =	shalt  }
0x76: {  	_ =	shalt  }
0x77: {  	_ =	shalt  }
0x78: {  	_ =	shalt  }
0x79: {  	_ =	shalt  }
0x7a: {  	_ =	shalt  }
0x7b: {  	_ =	shalt  }
0x7c: {  	_ =	shalt  }
0x7d: {  	_ =	shalt  }
0x7e: {  	_ =	shalt  }
0x7f: {  	_ =	shalt  }
0x80: {  	_ =	shalt  }
0x81: {  	_ =	shalt  }
0x82: {  	_ =	shalt  }
0x83: {  	_ =	shalt  }
0x84: {  	_ =	shalt  }
0x85: {  	_ =	shalt  }
0x86: {  	_ =	shalt  }
0x87: {  	_ =	shalt  }
.Lfunc_end0:
.L_simem_size_0:
called_computation_lowered:
.L_overlay_start_0:
0x88: {  	s2 =	sld [smem:$0x3FD9]  }
0x89: {  	s3 =	sld [smem:$0x3FFE];
	_ =	sdelay $0x1  }
0x8a: {  	s1 =	srdreg.scid  }
0x8b: {  	s0 =	sand.u32 $0x1, s1  }
0x8c: {  	s16 =	sshll.u32 s0, $0xA;
	s2 =	sadd.s32 s3, s2  }
0x8d: {  	s2 =	sadd.s32 s2, s16  }
0x8e: {  	[smem:$0x3FC4] =	sst s2  }
0x8f: {  	_ = 	snop  }
0x90: {  	(tm) =	ssettm $0x1  }
0x91: {  	s17 =	sld [smem:$0x3FFB];
	_ =	sdelay $0x3  }
0x92: {  	_ =	strace s17  }
0x93: {  	s2 =	sld [smem:$0x3FFC];
	_ =	sdelay $0x3  }
0x94: {  	_ =	strace s2  }
0x95: {  	s2 =	sld [smem:$0x3FFD];
	_ =	sdelay $0x3  }
0x96: {  	_ =	strace s2  }
0x97: {  	_ =	strace $0x8FFFFFFF  }
0x98: {  	s18 =	sld [smem:$0x3FDB];
	_ =	sdelay $0x1  }
0x99: {  	s19 =	simm.s32 $_scs_section_size  }
0x9a: {  	s4 =	simm.s32 $_size__tile_overlayer_lowered;
	s5 =	simm.s32 $_tile_overlayer_lowered  }
0x9b: {  	s22 =	simm.s32 $0x1BFF;
	s21 =	sshll.u32 s5, $0x1;
	s2 =	sadd.s32 s19, s18  }
0x9c: {  	s6 =	simm.s32 $0x0;
	s20 =	sshll.u32 s4, $0x1;
	s4 =	sadd.s32 s21, s2  }
0x9d: {  	[timem:s6], [sflag:s22] =	dma.local [hbm:s4], s20  }
0x9e: {  	_ =	swait.ge [sflag:s22], s20  }
0x9f: {  	s3 =	ssub.s32 $0x0, s20;
	[sflag:s22] =	ssyncset.done $0x0  }
0xa0: {  	[sflag:s22] =	ssyncadd.s32 s3;
	_ =	sdelay $0x1  }
0xa1: {  	s23 =	simm.s32 $0x1B8B  }
0xa2: {  	_ =	swait.ge [sflag:s23], $0x1  }
0xa3: {  	[sflag:s23] =	ssyncset.done $0x0  }
0xa4: {  	s25 =	simm.s32 $0x1B8E;
	s24 =	sld [smem:$0x3FFE];
	[sflag:s23] =	ssyncadd.s32 $0xFFFFFFFF  }
0xa5: {  	s26 =	simm.s32 $execute0_lowered;
	[smem:$0x3FD2] =	sst s25  }
0xa6: {  	s4 =	sshll.u32 s26, $0x1;
	_ =	strace $0x80000046;
	[dreg:$0x1] =	wrdreg $0xFFFFFFFF  }
0xa7: {  	s28 =	simm.s32 $_size_execute0_lowered;
	s2 =	sadd.s32 s2, s4;
	[dreg:$0x0] =	wrdreg $0x0  }
0xa8: {  	s4 =	sshll.u32 s28, $0x1;
	[dreg:$0x2] =	wrdreg s2  }
0xa9: {  	[dreg:$0x3] =	wrdreg s4  }
0xaa: {  	[dreg:$0x4] =	wrdreg $0xC0  }
0xab: {  	_ =	task [dreg:s6], $0x5FFFF  }
0xac: {  	[dreg:$0x1] =	wrdreg $0xFFFFFFFF  }
0xad: {  	[dreg:$0x0] =	wrdreg $0x60  }
0xae: {  	[dreg:$0x2] =	wrdreg s24  }
0xaf: {  	[dreg:$0x3] =	wrdreg $0x9  }
0xb0: {  	_ =	task.clear_ibuf [dreg:s6], $0x4FFFF;
	_ =	strace $0x90000046  }
0xb1: {  	s29 =	simm.s32 $0x9;
	_ =	strace $0x80000048  }
0xb2: {  	_ =	swait.ge [sflag:s29], $0x1  }
0xb3: {  	[sflag:s29] =	ssyncadd.s32 $0xFFFFFFFF  }
0xb4: {  	_ =	strace $0x90000048  }
0xb5: {  	_ =	sfence  }
0xb6: {  	s30 =	sld [smem:$0x0];
	_ =	sdelay $0x2  }
0xb7: {  	s31 =	sshll.u32 s1, $0xD;
	s1 =	sshrl.u32 s1, $0x2  }
0xb8: {  	s3 =	sand.u32 $0x4000, s31;
	s1 =	sadd.s32 s1, s30  }
0xb9: {  	s0 =	sor.u32 s3, s0;
	s1 =	sshll.u32 s1, $0x11  }
0xba: {  	s0 =	sor.u32 s1, s0  }
0xbb: {  	s0 =	sadd.s32 $0x8F2B, s0  }
0xbc: {  	[sflag:s0] =	ssyncadd.remote.s32 $0x1  }
0xbd: {  	_ =	sfence.sel $0xFFFF  }
0xbe: {  	[dreg:$0x0] =	wrdreg $0xFFFFFFFF;
	(pc) =	sbr.abs _section_cstart, $3  }
0xbf: {  	[dreg:$0x1] =	wrdreg $0xFFFFFFFF  }
0xc0: {  	_ =	task.clear_ibuf [dreg:s6], $0x2FFFF;
	_ =	strace $0x9FFFFFFF  }
0xc1: {  	(tm) =	ssettm $0x7FFFFFFF  }
tec
execute0_lowered:
.L_overlay_start_1:
0x0: {  	(tag) =	ssettag $0x1  }
0x1: {  	s1 =	srdreg.scid  }
0x2: {  	s0 =	stileid.u32;
	s7 =	rddreg [dreg:$0x0];
	s2 =	simm.s32 $0x0  }
0x3: {  	s15 =	simm.s32 $0x80;
	s16 =	simm.s32 $0x100;
	s17 =	simm.s32 $0x180  }
0x4: {  	s18 =	simm.s32 $0x200;
	s19 =	simm.s32 $0x4200;
	s20 =	simm.s32 $0x8200  }
0x5: {  	s21 =	simm.s32 $0xC200;
	s22 =	simm.s32 $0x10200;
	s23 =	simm.s32 $0x400  }
0x6: {  	s24 =	simm.s32 $0x10280;
	s8 =	sand.u32 $0x1, s1;
	s1 =	rddreg [dreg:$0x1]  }
0x7: {  	s25 =	simm.s32 $0x0;
	s3 =	sshll.u32 s0, $0x1;
	[smem:$0x7FF] =	sst s2  }
0x8: {  	s4 =	sadd.s32 $0xE00, s7;
	s9 =	sshrl.u32 s0, $0x2;
	s5 =	sor.u32 s8, s3  }
0x9: {  	_ =	strace $0x80000047;
	s12 =	sshll.u32 s9, $0xA;
	s9 =	sshll.u32 s9, $0x11  }
0xa: {  	s8 =	ssub.s32 $0x2, s8;
	s3 =	sshll.u32 s5, $0x1;
	s6 =	sshll.u32 s5, $0x7  }
0xb: {  	s5 =	sadd.s32 $0x600, s7;
	s31 =	sshrl.u32 s8, $0x1;
	s10 =	sadd.s32 s3, s7  }
0xc: {  	s3 =	sadd.s32 $0x1600, s7;
	s11 =	sand.u32 $0x380, s6;
	s6 =	sadd.s32 $0x1E00, s7  }
0xd: {  	s14 =	ssub.s32 s8, s31;
	s12 =	sor.u32 s12, s11;
	s9 =	sor.u32 s9, s11  }
0xe: {  	s8 =	sadd.s32 $0x2C00, s10;
	s12 =	sshrl.u32 s12, $0x3;
	s9 =	sshrl.u32 s9, $0x3  }
0xf: {  	s30 =	sadd.s32 s12, s7;
	s13 =	sadd.s32 s9, s7;
	s7 =	sadd.s32 $0x2600, s10  }
0x10: {  	s9 =	sadd.s32 $0x2A00, s10;
	s10 =	sadd.s32 $0x2800, s10;
	s11 =	sadd.s32 $0x2E00, s30  }
0x11: {  	s12 =	sadd.s32 $0x3000, s13;
	s13 =	smax.u32 s14, $0x1;
	s14 =	simm.s32 $0x1  }
.LBB2_1:
0x12: {  	[tilespmem:s2], [sflag:$0x1] =	stream.linear.gather [hbm4b:s7+s2], $0x10, $0x38;
	[tilespmem:$0x14280] =	vst v63  }
0x13: {  	_ =	swait.ge [sflag:s14], $0x10  }
0x14: {  	[sflag:s14] =	ssyncset.done $0x0  }
0x15: {  	[sflag:s14] =	ssyncadd.s32 $0xFFFFFFF0  }
0x16: {  	[tilespmem:s15], [sflag:$0x1] =	stream.linear.gather [hbm4b:s8+s2], $0x10, $0x38;
	[tilespmem:$0x14280] =	vst v63  }
0x17: {  	_ =	swait.ge [sflag:s14], $0x10  }
0x18: {  	[sflag:s14] =	ssyncset.done $0x0  }
0x19: {  	[sflag:s14] =	ssyncadd.s32 $0xFFFFFFF0  }
0x1a: {  	[tilespmem:s16], [sflag:$0x1] =	stream.linear.gather [hbm4b:s9+s2], $0x10, $0x38;
	[tilespmem:$0x14280] =	vst v63  }
0x1b: {  	_ =	swait.ge [sflag:s14], $0x10  }
0x1c: {  	[sflag:s14] =	ssyncset.done $0x0  }
0x1d: {  	[sflag:s14] =	ssyncadd.s32 $0xFFFFFFF0  }
0x1e: {  	[tilespmem:s17], [sflag:$0x1] =	stream.linear.gather [hbm4b:s10+s2], $0x10, $0x38;
	[tilespmem:$0x14280] =	vst v63  }
0x1f: {  	_ =	swait.ge [sflag:s14], $0x10  }
0x20: {  	[sflag:s14] =	ssyncset.done $0x0  }
0x21: {  	[sflag:s14] =	ssyncadd.s32 $0xFFFFFFF0  }
0x22: {  	[tilespmem:s18], [sflag:$0x1] =	stream.linear.gather [hbm4b:s3+s2], $0x4000, $0x38;
	[tilespmem:$0x14280] =	vst v63  }
0x23: {  	_ =	swait.ge [sflag:s14], $0x4000  }
0x24: {  	[sflag:s14] =	ssyncset.done $0x0  }
0x25: {  	[sflag:s14] =	ssyncadd.s32 $0xFFFFC000  }
0x26: {  	[tilespmem:s19], [sflag:$0x1] =	stream.linear.gather [hbm4b:s4+s2], $0x4000, $0x38;
	[tilespmem:$0x14280] =	vst v63  }
0x27: {  	_ =	swait.ge [sflag:s14], $0x4000  }
0x28: {  	[sflag:s14] =	ssyncset.done $0x0  }
0x29: {  	[sflag:s14] =	ssyncadd.s32 $0xFFFFC000  }
0x2a: {  	[tilespmem:s20], [sflag:$0x1] =	stream.linear.gather [hbm4b:s5+s2], $0x4000, $0x38;
	[tilespmem:$0x14280] =	vst v63  }
0x2b: {  	_ =	swait.ge [sflag:s14], $0x4000  }
0x2c: {  	[sflag:s14] =	ssyncset.done $0x0  }
0x2d: {  	[sflag:s14] =	ssyncadd.s32 $0xFFFFC000  }
0x2e: {  	[tilespmem:s21], [sflag:$0x1] =	stream.linear.gather [hbm4b:s6+s2], $0x4000, $0x38;
	[tilespmem:$0x14280] =	vst v63  }
0x2f: {  	_ =	swait.ge [sflag:s14], $0x4000  }
0x30: {  	[sflag:s14] =	ssyncset.done $0x0  }
0x31: {  	s26 =	simm.s32 $0x0;
	[sflag:s14] =	ssyncadd.s32 $0xFFFFC000  }
0x32: {  	v0 =	vld [tilespmem:s26+$0xC200]  }
0x33: {  	v1 =	vld [tilespmem:s26+$0x8200];
	_ =	sdelay $0x1  }
0x34: {  	v2 =	vld [tilespmem:s26+$0x200];
	_ =	sdelay $0x1  }
0x35: {  	v3 =	vbroadcast v0, $0xF  }
0x36: {  	v4 =	vbroadcast v0, $0xD;
	v17 =	vbroadcast v1, $0xF  }
0x37: {  	v19 =	vbroadcast v1, $0xE;
	v20 =	vbroadcast v1, $0xD  }
0x38: {  	v50 =	vbroadcast v2, $0xF;
	v27 =	vbroadcast v1, $0xC  }
0x39: {  	v29 =	vbroadcast v2, $0xE;
	v57 =	vbroadcast v1, $0xB  }
0x3a: {  	v52 =	vbroadcast v2, $0xD;
	v55 =	vbroadcast v1, $0xA  }
0x3b: {  	v58 =	vbroadcast v2, $0xC;
	v60 =	vbroadcast v1, $0x9  }
0x3c: {  	v32 =	vbroadcast v2, $0xB;
	v9 =	vbroadcast v1, $0x8  }
0x3d: {  	v5 =	vbroadcast v2, $0xA;
	v34 =	vbroadcast v1, $0x7  }
0x3e: {  	v59 =	vbroadcast v2, $0x9;
	v36 =	vbroadcast v1, $0x6  }
0x3f: {  	v22 =	vbroadcast v0, $0x1;
	v23 =	vbroadcast v1, $0x5  }
0x40: {  	v63 =	vbroadcast v2, $0x7;
	v25 =	vbroadcast v0, $0x0  }
0x41: {  	v26 =	vbroadcast v1, $0x4;
	v21 =	vbroadcast v2, $0x6  }
0x42: {  	v28 =	vbroadcast v1, $0x3;
	v44 =	vbroadcast v2, $0x5  }
0x43: {  	v8 =	vld [tilespmem:$0x100];
	v30 =	vbroadcast v1, $0x2;
	[tilespmem:$0x1FF00] =	vst v4;
	v4 =	vbroadcast v0, $0xE  }
0x44: {  	v13 =	vld [tilespmem:$0x0];
	v45 =	vbroadcast v2, $0x4;
	v40 =	vbroadcast v1, $0x1  }
0x45: {  	v46 =	vbroadcast v2, $0x3;
	[tilespmem:$0x1FF10] =	vst v4;
	v4 =	vbroadcast v0, $0xB  }
0x46: {  	v43 =	vbroadcast v1, $0x0;
	v49 =	vbroadcast v2, $0x2  }
0x47: {  	v48 =	vbroadcast v2, $0x1;
	[tilespmem:$0x1FF20] =	vst v4;
	v4 =	vbroadcast v0, $0xC  }
0x48: {  	v47 =	vbroadcast v2, $0x0;
	v19 =	vmul.f32 v19, v8  }
0x49: {  	v50 =	vmul.f32 v50, v13;
	[tilespmem:$0x1FF30] =	vst v4;
	v4 =	vbroadcast v0, $0xA  }
0x4a: {  	v54 =	vmul.f32 v29, v13;
	v52 =	vmul.f32 v52, v13  }
0x4b: {  	v29 =	vmul.f32 v55, v8;
	[tilespmem:$0x1FF40] =	vst v4;
	v4 =	vbroadcast v0, $0x9  }
0x4c: {  	[tilespmem:$0x1FEF0] =	vst v3;
	v3 =	vld [tilespmem:s26+$0x4200];
	v58 =	vmul.f32 v58, v13;
	v55 =	vmul.f32 v32, v13  }
0x4d: {  	v32 =	vmul.f32 v9, v8;
	[tilespmem:$0x1FF50] =	vst v4;
	v4 =	vbroadcast v0, $0x8  }
0x4e: {  	v34 =	vmul.f32 v34, v8;
	v59 =	vmul.f32 v59, v13  }
0x4f: {  	v36 =	vmul.f32 v36, v8;
	[tilespmem:$0x1FF60] =	vst v4;
	v4 =	vbroadcast v0, $0x7  }
0x50: {  	v63 =	vmul.f32 v63, v13;
	v1 =	vmul.f32 v21, v13  }
0x51: {  	v24 =	vbroadcast v3, $0xF;
	[tilespmem:$0x1FF70] =	vst v4;
	v4 =	vbroadcast v0, $0x6  }
0x52: {  	v31 =	vbroadcast v3, $0xE;
	v53 =	vbroadcast v3, $0xD  }
0x53: {  	v61 =	vbroadcast v3, $0xC;
	[tilespmem:$0x1FF80] =	vst v4;
	v4 =	vbroadcast v0, $0x5  }
0x54: {  	v56 =	vbroadcast v3, $0xB;
	v6 =	vbroadcast v3, $0xA  }
0x55: {  	v62 =	vbroadcast v3, $0x9;
	[tilespmem:$0x1FF90] =	vst v4;
	v4 =	vbroadcast v0, $0x4  }
0x56: {  	v7 =	vbroadcast v3, $0x8;
	v10 =	vbroadcast v3, $0x7  }
0x57: {  	v11 =	vld [tilespmem:$0x80];
	v37 =	vbroadcast v3, $0x6;
	[tilespmem:$0x1FFA0] =	vst v4;
	v4 =	vbroadcast v0, $0x3  }
0x58: {  	v39 =	vbroadcast v3, $0x5;
	v41 =	vbroadcast v3, $0x4  }
0x59: {  	v33 =	vbroadcast v3, $0x3;
	[tilespmem:$0x1FFB0] =	vst v4;
	v4 =	vbroadcast v0, $0x2  }
0x5a: {  	v35 =	vbroadcast v3, $0x2;
	v38 =	vbroadcast v3, $0x1  }
0x5b: {  	v0 =	vmul.f32 v17, v8;
	[tilespmem:$0x1FFC0] =	vst v4;
	v4 =	vbroadcast v2, $0x8  }
0x5c: {  	v42 =	vbroadcast v3, $0x0;
	v51 =	vmul.f32 v24, v11  }
0x5d: {  	v24 =	vmul.f32 v27, v8;
	[tilespmem:$0x1FFD0] =	vst v0;
	v0 =	vmul.f32 v4, v13;
	v4 =	vimm.f32 $+Inf  }
0x5e: {  	v27 =	vmul.f32 v57, v8;
	v57 =	vmul.f32 v31, v11;
	[tilespmem:$0x1FFE0] =	vst v4;
	v4 =	vld [tilespmem:$0x180]  }
0x5f: {  	v53 =	vmul.f32 v53, v11;
	v31 =	vmul.f32 v60, v8  }
0x60: {  	v61 =	vmul.f32 v61, v11;
	v56 =	vmul.f32 v56, v11  }
0x61: {  	v60 =	vmul.f32 v5, v13;
	v9 =	vmul.f32 v6, v11  }
0x62: {  	v62 =	vmul.f32 v62, v11;
	v3 =	vmul.f32 v7, v11  }
0x63: {  	s26 =	simm.s32 $0x40;
	v17 =	vmul.f32 v20, v8;
	v2 =	vmul.f32 v10, v11;
	[tilespmem:$0x1FFF0] =	vst v4  }
.LBB2_2:
0x64: {  	v47 =	vmul.f32 v47, v13;
	v42 =	vmul.f32 v42, v11  }
0x65: {  	v37 =	vmul.f32 v37, v11  }
0x66: {  	v43 =	vmul.f32 v43, v8;
	v2 =	vadd.f32 v2, v63;
	v63 =	vadd.f32 v42, v47  }
0x67: {  	v4 =	vld [tilespmem:$0x1FFE0]  }
0x68: {  	v1 =	vadd.f32 v37, v1;
	v37 =	vadd.f32 v43, v63;
	_ =	sdelay $0x1  }
0x69: {  	v25 =	vadd.f32 v37, v25  }
0x6a: {  	v49 =	vmul.f32 v49, v13;
	v35 =	vmul.f32 v35, v11  }
0x6b: {  	v21 =	vmin.f32 v4, v25;
	v4 =	vld [tilespmem:$0x1FFC0]  }
0x6c: {  	v30 =	vmul.f32 v30, v8;
	v35 =	vadd.f32 v35, v49;
	_ =	sdelay $0x1  }
0x6d: {  	v30 =	vadd.f32 v30, v35  }
0x6e: {  	v46 =	vmul.f32 v46, v13;
	v33 =	vmul.f32 v33, v11  }
0x6f: {  	v18 =	vadd.f32 v30, v4;
	v4 =	vld [tilespmem:$0x1FFB0]  }
0x70: {  	v28 =	vmul.f32 v28, v8;
	v33 =	vadd.f32 v33, v46;
	_ =	sdelay $0x1  }
0x71: {  	v28 =	vadd.f32 v28, v33  }
0x72: {  	v45 =	vmul.f32 v45, v13;
	v41 =	vmul.f32 v41, v11  }
0x73: {  	v48 =	vmul.f32 v48, v13;
	v38 =	vmul.f32 v38, v11;
	v16 =	vadd.f32 v28, v4;
	v4 =	vld [tilespmem:$0x1FFA0]  }
0x74: {  	v26 =	vmul.f32 v26, v8;
	v41 =	vadd.f32 v41, v45  }
0x75: {  	v40 =	vmul.f32 v40, v8;
	v38 =	vadd.f32 v38, v48  }
0x76: {  	v25 =	vadd.f32 v26, v41  }
0x77: {  	v44 =	vmul.f32 v44, v13;
	v39 =	vmul.f32 v39, v11;
	v38 =	vadd.f32 v40, v38  }
0x78: {  	v15 =	vadd.f32 v25, v4;
	v4 =	vld [tilespmem:$0x1FF90]  }
0x79: {  	v23 =	vmul.f32 v23, v8;
	v39 =	vadd.f32 v39, v44;
	v22 =	vadd.f32 v38, v22;
	_ =	sdelay $0x1  }
0x7a: {  	v21 =	vmin.f32 v21, v22;
	v22 =	vadd.f32 v23, v39;
	_ =	sdelay $0x1  }
0x7b: {  	v14 =	vadd.f32 v22, v4;
	v4 =	vld [tilespmem:$0x1FF80];
	_ =	sdelay $0x2  }
0x7c: {  	v1 =	vadd.f32 v36, v1;
	_ =	sdelay $0x1  }
0x7d: {  	v1 =	vadd.f32 v1, v4;
	v4 =	vld [tilespmem:$0x1FF70];
	_ =	sdelay $0x1  }
0x7e: {  	v18 =	vmin.f32 v21, v18  }
0x7f: {  	v2 =	vadd.f32 v34, v2;
	v16 =	vmin.f32 v18, v16  }
0x80: {  	v15 =	vmin.f32 v16, v15  }
0x81: {  	v12 =	vmin.f32 v15, v14;
	v2 =	vadd.f32 v2, v4  }
0x82: {  	v1 =	vmin.f32 v12, v1;
	v4 =	vld [tilespmem:$0x1FF60]  }
0x83: {  	v0 =	vadd.f32 v3, v0;
	v1 =	vmin.f32 v1, v2;
	v2 =	vld [tilespmem:$0x1FF50]  }
0x84: {  	v3 =	vadd.f32 v62, v59  }
0x85: {  	v9 =	vadd.f32 v9, v60;
	v0 =	vadd.f32 v32, v0  }
0x86: {  	s28 =	sshra.s32 s26, $0x2;
	v54 =	vadd.f32 v57, v54;
	v3 =	vadd.f32 v31, v3  }
0x87: {  	v7 =	vadd.f32 v29, v9;
	v9 =	vld [tilespmem:s28+$0xC200];
	v0 =	vadd.f32 v0, v4  }
0x88: {  	v4 =	vadd.f32 v19, v54;
	v19 =	vld [tilespmem:s28+$0x8200];
	v2 =	vadd.f32 v3, v2  }
0x89: {  	v0 =	vmin.f32 v1, v0;
	v1 =	vld [tilespmem:$0x1FF40]  }
0x8a: {  	v0 =	vmin.f32 v0, v2;
	v2 =	vld [tilespmem:$0x1FF20]  }
0x8b: {  	v58 =	vadd.f32 v61, v58;
	v61 =	vadd.f32 v56, v55  }
0x8c: {  	v52 =	vadd.f32 v53, v52;
	v6 =	vbroadcast v9, $0x3;
	v25 =	vbroadcast v9, $0x0  }
0x8d: {  	v22 =	vbroadcast v9, $0x1;
	v12 =	vbroadcast v9, $0x2;
	v3 =	vadd.f32 v27, v61  }
0x8e: {  	v29 =	vbroadcast v19, $0xC;
	v34 =	vbroadcast v19, $0xB;
	v1 =	vadd.f32 v7, v1  }
0x8f: {  	v55 =	vbroadcast v19, $0xA;
	v2 =	vadd.f32 v3, v2;
	v3 =	vadd.f32 v17, v52;
	v17 =	vld [tilespmem:s28+$0x200]  }
0x90: {  	v60 =	vbroadcast v19, $0x9;
	v14 =	vbroadcast v19, $0x6  }
0x91: {  	v23 =	vbroadcast v19, $0x5;
	v26 =	vbroadcast v19, $0x4;
	v0 =	vmin.f32 v0, v1;
	v1 =	vld [tilespmem:$0x1FF30]  }
0x92: {  	v28 =	vbroadcast v19, $0x3;
	v30 =	vbroadcast v19, $0x2;
	v0 =	vmin.f32 v0, v2;
	v2 =	vld [tilespmem:$0x1FF00]  }
0x93: {  	v40 =	vbroadcast v19, $0x1;
	v43 =	vbroadcast v19, $0x0  }
0x94: {  	v5 =	vadd.f32 v24, v58;
	v7 =	vbroadcast v19, $0x7;
	v24 =	vbroadcast v17, $0xF  }
0x95: {  	v31 =	vbroadcast v17, $0xE;
	v36 =	vbroadcast v17, $0xD  }
0x96: {  	v1 =	vadd.f32 v5, v1;
	v56 =	vbroadcast v17, $0xC;
	v62 =	vbroadcast v17, $0xB  }
0x97: {  	v5 =	vbroadcast v17, $0xA;
	v10 =	vbroadcast v17, $0x9;
	v2 =	vadd.f32 v3, v2;
	v3 =	vld [tilespmem:$0x1FFD0]  }
0x98: {  	v15 =	vbroadcast v17, $0x8;
	v18 =	vbroadcast v17, $0x7;
	v0 =	vmin.f32 v0, v1;
	v1 =	vld [tilespmem:$0x1FF10]  }
0x99: {  	v21 =	vbroadcast v17, $0x6;
	v44 =	vbroadcast v17, $0x5;
	v0 =	vmin.f32 v0, v2;
	v2 =	vld [tilespmem:$0x1FEF0]  }
0x9a: {  	v50 =	vadd.f32 v51, v50;
	v45 =	vbroadcast v17, $0x4;
	v46 =	vbroadcast v17, $0x3  }
0x9b: {  	v49 =	vbroadcast v17, $0x2;
	v48 =	vbroadcast v17, $0x1  }
0x9c: {  	v47 =	vbroadcast v17, $0x0;
	v54 =	vmul.f32 v31, v13;
	v3 =	vadd.f32 v3, v50  }
0x9d: {  	v52 =	vmul.f32 v36, v13;
	v1 =	vadd.f32 v4, v1;
	v4 =	vbroadcast v9, $0xD  }
0x9e: {  	v58 =	vmul.f32 v56, v13;
	v2 =	vadd.f32 v3, v2;
	v3 =	vbroadcast v9, $0xF  }
0x9f: {  	v31 =	vmul.f32 v60, v8;
	[tilespmem:$0x1FF00] =	vst v4;
	v4 =	vbroadcast v9, $0xE  }
0xa0: {  	v60 =	vmul.f32 v5, v13;
	v0 =	vmin.f32 v0, v1;
	v1 =	vbroadcast v9, $0xB;
	[tilespmem:$0x1FEF0] =	vst v3  }
0xa1: {  	v36 =	vmul.f32 v14, v8;
	v50 =	vmul.f32 v24, v13;
	[tilespmem:$0x1FF10] =	vst v4  }
0xa2: {  	v24 =	vmul.f32 v29, v8;
	[tilespmem:$0x1FF20] =	vst v1;
	v1 =	vbroadcast v9, $0xC;
	v0 =	vmin.f32 v0, v2  }
0xa3: {  	v29 =	vmul.f32 v55, v8;
	v3 =	vld [tilespmem:s28+$0x4200];
	v4 =	vbroadcast v9, $0x8;
	[tilespmem:$0x1FFE0] =	vst v0  }
0xa4: {  	v2 =	vbroadcast v19, $0xD;
	v0 =	vbroadcast v9, $0xA;
	[tilespmem:$0x1FF30] =	vst v1  }
0xa5: {  	v55 =	vmul.f32 v62, v13;
	v1 =	vbroadcast v9, $0x9;
	[tilespmem:$0x1FF60] =	vst v4  }
0xa6: {  	v4 =	vbroadcast v9, $0x7;
	v17 =	vmul.f32 v2, v8;
	[tilespmem:$0x1FF40] =	vst v0  }
0xa7: {  	v0 =	vbroadcast v19, $0xF;
	[tilespmem:$0x1FF50] =	vst v1;
	v1 =	vbroadcast v19, $0xE  }
0xa8: {  	[tilespmem:$0x1FF70] =	vst v4;
	v4 =	vbroadcast v9, $0x6;
	v27 =	vbroadcast v3, $0xF  }
0xa9: {  	v32 =	vbroadcast v3, $0xE;
	v53 =	vbroadcast v3, $0xD  }
0xaa: {  	[tilespmem:$0x1FFB0] =	vst v6;
	v59 =	vbroadcast v3, $0xC;
	v63 =	vbroadcast v3, $0xB  }
0xab: {  	[tilespmem:$0x1FFC0] =	vst v12;
	v6 =	vbroadcast v3, $0xA;
	v12 =	vbroadcast v3, $0x9  }
0xac: {  	v16 =	vbroadcast v3, $0x8;
	v20 =	vbroadcast v3, $0x7  }
0xad: {  	v37 =	vbroadcast v3, $0x6;
	v39 =	vbroadcast v3, $0x5  }
0xae: {  	v41 =	vbroadcast v3, $0x4;
	v33 =	vbroadcast v3, $0x3  }
0xaf: {  	v35 =	vbroadcast v3, $0x2;
	v38 =	vbroadcast v3, $0x1  }
0xb0: {  	v42 =	vbroadcast v3, $0x0;
	v0 =	vmul.f32 v0, v8  }
0xb1: {  	[tilespmem:$0x1FF80] =	vst v4;
	v4 =	vbroadcast v9, $0x5;
	v51 =	vmul.f32 v27, v11  }
0xb2: {  	v27 =	vmul.f32 v34, v8;
	v57 =	vmul.f32 v32, v11  }
0xb3: {  	v53 =	vmul.f32 v53, v11;
	v61 =	vmul.f32 v59, v11  }
0xb4: {  	v56 =	vmul.f32 v63, v11;
	v34 =	vmul.f32 v7, v8  }
0xb5: {  	p0 =	sne.s32 s26, $0xFFC0;
	[tilespmem:$0x1FFD0] =	vst v0;
	v59 =	vmul.f32 v10, v13;
	v62 =	vmul.f32 v12, v11  }
.Ltmp0:
0xb6: {  	v0 =	vmul.f32 v15, v13;
	[tilespmem:$0x1FF90] =	vst v4;
	v4 =	vbroadcast v9, $0x4;
	(pc) =	sbr.rel @p0 .LBB2_2-.Ltmp0, $4  }
0xb7: {  	v63 =	vmul.f32 v18, v13;
	v3 =	vmul.f32 v16, v11  }
0xb8: {  	v2 =	vmul.f32 v20, v11;
	[tilespmem:$0x1FFA0] =	vst v4;
	v4 =	vbroadcast v19, $0x8  }
0xb9: {  	v9 =	vmul.f32 v6, v11;
	v19 =	vmul.f32 v1, v8  }
0xba: {  	s26 =	sadd.s32 $0x40, s26;
	v1 =	vmul.f32 v21, v13;
	v32 =	vmul.f32 v4, v8  }
0xbb: {  	v4 =	vmul.f32 v44, v13  }
0xbc: {  	v5 =	vmul.f32 v45, v13;
	v7 =	vmul.f32 v46, v13  }
0xbd: {  	v10 =	vmul.f32 v49, v13;
	v16 =	vmul.f32 v37, v11  }
0xbe: {  	v12 =	vadd.f32 v51, v50;
	v18 =	vmul.f32 v39, v11;
	v51 =	vmul.f32 v41, v11  }
0xbf: {  	v6 =	vadd.f32 v57, v54;
	v54 =	vmul.f32 v42, v11;
	v38 =	vmul.f32 v38, v11  }
0xc0: {  	v1 =	vadd.f32 v16, v1;
	v16 =	vmul.f32 v35, v11;
	v11 =	vmul.f32 v33, v11  }
0xc1: {  	v14 =	vmul.f32 v48, v13;
	v13 =	vmul.f32 v47, v13  }
0xc2: {  	v7 =	vadd.f32 v11, v7;
	v11 =	vmul.f32 v28, v8  }
0xc3: {  	v20 =	vadd.f32 v53, v52;
	v52 =	vmul.f32 v43, v8;
	v13 =	vadd.f32 v54, v13  }
0xc4: {  	v7 =	vadd.f32 v11, v7;
	v11 =	vld [tilespmem:$0x1FFE0]  }
0xc5: {  	v13 =	vadd.f32 v52, v13;
	_ =	sdelay $0x1  }
0xc6: {  	v13 =	vadd.f32 v13, v25;
	_ =	sdelay $0x1  }
0xc7: {  	v21 =	vmul.f32 v40, v8;
	v11 =	vmin.f32 v11, v13;
	v13 =	vld [tilespmem:$0x1FFC0]  }
0xc8: {  	v14 =	vadd.f32 v38, v14;
	v10 =	vadd.f32 v16, v10;
	v16 =	vmul.f32 v30, v8;
	_ =	sdelay $0x1  }
0xc9: {  	v14 =	vadd.f32 v21, v14;
	v10 =	vadd.f32 v16, v10;
	_ =	sdelay $0x1  }
0xca: {  	v14 =	vadd.f32 v14, v22;
	v10 =	vadd.f32 v10, v13;
	v13 =	vld [tilespmem:$0x1FFB0]  }
0xcb: {  	v4 =	vadd.f32 v18, v4;
	v16 =	vmul.f32 v26, v8;
	v8 =	vmul.f32 v23, v8  }
0xcc: {  	v11 =	vmin.f32 v11, v14  }
0xcd: {  	v4 =	vadd.f32 v8, v4;
	v8 =	vmin.f32 v11, v10;
	v10 =	vld [tilespmem:$0x1FFA0]  }
0xce: {  	v5 =	vadd.f32 v51, v5  }
0xcf: {  	v7 =	vadd.f32 v7, v13  }
0xd0: {  	v5 =	vadd.f32 v16, v5  }
0xd1: {  	v7 =	vmin.f32 v8, v7;
	v8 =	vld [tilespmem:$0x1FF90]  }
0xd2: {  	v5 =	vadd.f32 v5, v10;
	_ =	sdelay $0x1  }
0xd3: {  	v5 =	vmin.f32 v7, v5;
	v7 =	vld [tilespmem:$0x1FF80];
	_ =	sdelay $0x1  }
0xd4: {  	v4 =	vadd.f32 v4, v8  }
0xd5: {  	v1 =	vadd.f32 v36, v1  }
0xd6: {  	v4 =	vmin.f32 v5, v4;
	v5 =	vld [tilespmem:$0x1FF70]  }
0xd7: {  	v2 =	vadd.f32 v2, v63;
	v1 =	vadd.f32 v1, v7;
	_ =	sdelay $0x1  }
0xd8: {  	v2 =	vadd.f32 v34, v2;
	v1 =	vmin.f32 v4, v1;
	v4 =	vld [tilespmem:$0x1FF60]  }
0xd9: {  	v0 =	vadd.f32 v3, v0  }
0xda: {  	v2 =	vadd.f32 v2, v5  }
0xdb: {  	v0 =	vadd.f32 v32, v0  }
0xdc: {  	v1 =	vmin.f32 v1, v2;
	v2 =	vld [tilespmem:$0x1FF50]  }
0xdd: {  	v3 =	vadd.f32 v62, v59;
	v0 =	vadd.f32 v0, v4;
	_ =	sdelay $0x1  }
0xde: {  	v3 =	vadd.f32 v31, v3;
	v0 =	vmin.f32 v1, v0;
	v1 =	vld [tilespmem:$0x1FF40]  }
0xdf: {  	v9 =	vadd.f32 v9, v60  }
0xe0: {  	v2 =	vadd.f32 v3, v2  }
0xe1: {  	v4 =	vadd.f32 v29, v9  }
0xe2: {  	v0 =	vmin.f32 v0, v2;
	v2 =	vld [tilespmem:$0x1FF20]  }
0xe3: {  	v53 =	vadd.f32 v56, v55;
	v1 =	vadd.f32 v4, v1;
	_ =	sdelay $0x1  }
0xe4: {  	v3 =	vadd.f32 v27, v53;
	v0 =	vmin.f32 v0, v1;
	v1 =	vld [tilespmem:$0x1FF30]  }
0xe5: {  	v15 =	vadd.f32 v61, v58  }
0xe6: {  	v2 =	vadd.f32 v3, v2  }
0xe7: {  	v4 =	vadd.f32 v24, v15  }
0xe8: {  	v0 =	vmin.f32 v0, v2;
	v2 =	vld [tilespmem:$0x1FF00]  }
0xe9: {  	v1 =	vadd.f32 v4, v1;
	_ =	sdelay $0x1  }
0xea: {  	v3 =	vadd.f32 v17, v20;
	v0 =	vmin.f32 v0, v1;
	v1 =	vld [tilespmem:$0x1FF10];
	_ =	sdelay $0x1  }
0xeb: {  	v2 =	vadd.f32 v3, v2;
	v3 =	vld [tilespmem:$0x1FFD0]  }
0xec: {  	v4 =	vadd.f32 v19, v6  }
0xed: {  	v0 =	vmin.f32 v0, v2;
	v2 =	vld [tilespmem:$0x1FEF0]  }
0xee: {  	v1 =	vadd.f32 v4, v1;
	_ =	sdelay $0x1  }
0xef: {  	v0 =	vmin.f32 v0, v1;
	v1 =	vld [tilespmem:$0x1FFF0];
	v3 =	vadd.f32 v3, v12;
	_ =	sdelay $0x1  }
0xf0: {  	v2 =	vadd.f32 v3, v2;
	_ =	sdelay $0x1  }
0xf1: {  	v0 =	vmin.f32 v0, v2  }
0xf2: {  	v0 =	vadd.f32 v0, v1;
	_ =	sdelay $0x1  }
0xf3: {  	v0 =	vadd.f32 $0.0e+00, v0;
	_ =	sdelay $0x1  }
0xf4: {  	s26 =	simm.s32 $0x0;
	[tilespmem:$0x10200] =	vst v0  }
0xf5: {  	[hbm4b:s11+s26] =	stream.linear.scatter [tilespmem:s22], [sflag:$0x1], $0x80, $0x38;
	[tilespmem:$0x14280] =	vst v63  }
0xf6: {  	_ =	swait.ge [sflag:s14], $0x80  }
0xf7: {  	[sflag:s14] =	ssyncset.done $0x0  }
0xf8: {  	[sflag:s14] =	ssyncadd.s32 $0xFFFFFF80  }
0xf9: {  	v0 =	vld [tilespmem:$0x180];
	_ =	sdelay $0x4  }
0xfa: {  	v1 =	vbroadcast v0, $0xE;
	_ =	sdelay $0x1  }
0xfb: {  	[tilespmem:$0x1FEB0] =	vst v1;
	v1 =	vbroadcast v0, $0xF;
	_ =	sdelay $0x1  }
0xfc: {  	[tilespmem:$0x1FEC0] =	vst v1;
	v1 =	vbroadcast v0, $0xC;
	_ =	sdelay $0x1  }
0xfd: {  	[tilespmem:$0x1FED0] =	vst v1;
	v1 =	vbroadcast v0, $0xD  }
0xfe: {  	v5 =	vbroadcast v0, $0xA;
	v4 =	vbroadcast v0, $0xB  }
0xff: {  	v7 =	vbroadcast v0, $0x8;
	v6 =	vbroadcast v0, $0x9;
	[tilespmem:$0x1FEE0] =	vst v1;
	v1 =	vld [tilespmem:$0x100]  }
0x100: {  	v9 =	vbroadcast v0, $0x6;
	v8 =	vbroadcast v0, $0x7  }
0x101: {  	v12 =	vbroadcast v0, $0x4;
	v10 =	vbroadcast v0, $0x5  }
0x102: {  	v17 =	vbroadcast v0, $0x2;
	v14 =	vbroadcast v0, $0x3  }
0x103: {  	v19 =	vbroadcast v0, $0x0;
	v18 =	vbroadcast v0, $0x1  }
0x104: {  	v0 =	vbroadcast v1, $0xE;
	v11 =	vbroadcast v1, $0xF  }
0x105: {  	v15 =	vbroadcast v1, $0xC;
	v20 =	vbroadcast v1, $0xD  }
0x106: {  	s26 =	simm.s32 $0x0;
	v21 =	vbroadcast v1, $0xA;
	v24 =	vbroadcast v1, $0xB  }
0x107: {  	v22 =	vld [tilespmem:s26+$0x8200];
	v25 =	vbroadcast v1, $0x8;
	v31 =	vbroadcast v1, $0x9  }
0x108: {  	v23 =	vbroadcast v1, $0x6;
	v27 =	vbroadcast v1, $0x7  }
0x109: {  	v28 =	vbroadcast v1, $0x4;
	v26 =	vbroadcast v1, $0x5  }
0x10a: {  	v29 =	vbroadcast v1, $0x2;
	v55 =	vbroadcast v1, $0x3  }
0x10b: {  	v56 =	vbroadcast v1, $0x0;
	v30 =	vbroadcast v1, $0x1  }
0x10c: {  	v1 =	vld [tilespmem:$0x0];
	v13 =	vmul.f32 v0, v22;
	v11 =	vmul.f32 v11, v22  }
0x10d: {  	v16 =	vmul.f32 v15, v22;
	v15 =	vmul.f32 v20, v22  }
0x10e: {  	v21 =	vmul.f32 v21, v22;
	v20 =	vmul.f32 v24, v22  }
0x10f: {  	v25 =	vmul.f32 v25, v22;
	v24 =	vmul.f32 v31, v22  }
0x110: {  	v32 =	vmul.f32 v56, v22;
	v31 =	vmul.f32 v55, v22  }
0x111: {  	v0 =	vbroadcast v1, $0xE;
	v33 =	vbroadcast v1, $0xF  }
0x112: {  	v34 =	vbroadcast v1, $0xC;
	v35 =	vbroadcast v1, $0xD  }
0x113: {  	v36 =	vbroadcast v1, $0xA;
	v37 =	vbroadcast v1, $0xB  }
0x114: {  	v39 =	vld [tilespmem:s26+$0x200];
	v38 =	vbroadcast v1, $0x8;
	v40 =	vbroadcast v1, $0x9  }
0x115: {  	v57 =	vbroadcast v1, $0x6;
	v58 =	vbroadcast v1, $0x7  }
0x116: {  	v59 =	vbroadcast v1, $0x4;
	v60 =	vbroadcast v1, $0x5  }
0x117: {  	v61 =	vbroadcast v1, $0x2;
	v62 =	vbroadcast v1, $0x3  }
0x118: {  	v63 =	vbroadcast v1, $0x0;
	v1 =	vbroadcast v1, $0x1  }
0x119: {  	v47 =	vmul.f32 v0, v39;
	v48 =	vmul.f32 v33, v39  }
0x11a: {  	v45 =	vmul.f32 v34, v39;
	v46 =	vmul.f32 v35, v39  }
0x11b: {  	v41 =	vmul.f32 v36, v39;
	v42 =	vmul.f32 v37, v39  }
0x11c: {  	v0 =	vld [tilespmem:$0x80];
	v43 =	vmul.f32 v38, v39;
	v44 =	vmul.f32 v40, v39  }
0x11d: {  	v40 =	vmul.f32 v57, v39;
	v37 =	vmul.f32 v58, v39  }
0x11e: {  	v35 =	vmul.f32 v59, v39;
	v36 =	vmul.f32 v60, v39  }
0x11f: {  	v34 =	vmul.f32 v61, v39;
	v33 =	vmul.f32 v62, v39  }
0x120: {  	v38 =	vmul.f32 v63, v39;
	v39 =	vmul.f32 v1, v39  }
0x121: {  	v1 =	vbroadcast v0, $0xE;
	v60 =	vbroadcast v0, $0xF  }
0x122: {  	v61 =	vbroadcast v0, $0xC;
	v63 =	vbroadcast v0, $0xD  }
0x123: {  	v2 =	vbroadcast v0, $0xA;
	v3 =	vbroadcast v0, $0xB  }
0x124: {  	v49 =	vld [tilespmem:s26+$0x4200];
	v58 =	vbroadcast v0, $0x8;
	v59 =	vbroadcast v0, $0x9  }
0x125: {  	v57 =	vbroadcast v0, $0x6;
	v55 =	vbroadcast v0, $0x7  }
0x126: {  	v53 =	vbroadcast v0, $0x4;
	v56 =	vbroadcast v0, $0x5  }
0x127: {  	v50 =	vbroadcast v0, $0x2;
	v51 =	vbroadcast v0, $0x3  }
0x128: {  	v54 =	vbroadcast v0, $0x0;
	v52 =	vbroadcast v0, $0x1  }
0x129: {  	v0 =	vmul.f32 v1, v49;
	v1 =	vmul.f32 v60, v49  }
0x12a: {  	v62 =	vmul.f32 v61, v49;
	v63 =	vmul.f32 v63, v49  }
0x12b: {  	s28 =	simm.s32 $0x40;
	v60 =	vmul.f32 v2, v49;
	v61 =	vmul.f32 v3, v49  }
.LBB2_4:
0x12c: {  	v58 =	vmul.f32 v58, v49;
	v57 =	vmul.f32 v57, v49  }
0x12d: {  	v55 =	vmul.f32 v55, v49;
	v56 =	vmul.f32 v56, v49;
	v0 =	vadd.f32 v0, v47  }
0x12e: {  	v47 =	vmul.f32 v53, v49;
	v45 =	vadd.f32 v62, v45;
	v46 =	vadd.f32 v63, v46  }
0x12f: {  	v62 =	vmul.f32 v51, v49;
	v63 =	vmul.f32 v54, v49;
	v43 =	vadd.f32 v58, v43  }
0x130: {  	v52 =	vmul.f32 v52, v49;
	v40 =	vadd.f32 v57, v40;
	v37 =	vadd.f32 v55, v37  }
0x131: {  	v54 =	vmul.f32 v50, v49;
	v35 =	vadd.f32 v47, v35;
	v36 =	vadd.f32 v56, v36  }
0x132: {  	v30 =	vmul.f32 v30, v22;
	v38 =	vadd.f32 v63, v38;
	v39 =	vadd.f32 v52, v39  }
0x133: {  	v29 =	vmul.f32 v29, v22;
	v34 =	vadd.f32 v54, v34;
	v33 =	vadd.f32 v62, v33  }
0x134: {  	v27 =	vmul.f32 v27, v22;
	v32 =	vadd.f32 v32, v38;
	v30 =	vadd.f32 v30, v39  }
0x135: {  	v28 =	vmul.f32 v28, v22;
	v29 =	vadd.f32 v29, v34;
	v31 =	vadd.f32 v31, v33  }
0x136: {  	v26 =	vmul.f32 v26, v22;
	v19 =	vadd.f32 v32, v19;
	v18 =	vadd.f32 v30, v18  }
0x137: {  	v22 =	vmul.f32 v23, v22;
	v28 =	vadd.f32 v28, v35;
	v17 =	vadd.f32 v29, v17  }
0x138: {  	v14 =	vadd.f32 v31, v14;
	v18 =	vmin.f32 v19, v18;
	v19 =	vadd.f32 v26, v36  }
0x139: {  	v12 =	vadd.f32 v28, v12;
	v17 =	vmin.f32 v18, v17;
	v18 =	vadd.f32 v22, v40  }
0x13a: {  	v14 =	vmin.f32 v17, v14;
	v10 =	vadd.f32 v19, v10;
	v17 =	vadd.f32 v27, v37  }
0x13b: {  	v12 =	vmin.f32 v14, v12;
	v9 =	vadd.f32 v18, v9;
	v14 =	vadd.f32 v25, v43  }
0x13c: {  	v2 =	vld [tilespmem:$0x1FED0];
	v59 =	vmul.f32 v59, v49;
	v10 =	vmin.f32 v12, v10;
	v8 =	vadd.f32 v17, v8  }
0x13d: {  	v9 =	vmin.f32 v10, v9;
	v7 =	vadd.f32 v14, v7  }
0x13e: {  	v44 =	vadd.f32 v59, v44;
	v8 =	vmin.f32 v9, v8  }
0x13f: {  	v41 =	vadd.f32 v60, v41;
	v7 =	vmin.f32 v8, v7;
	v8 =	vadd.f32 v16, v45  }
0x140: {  	v42 =	vadd.f32 v61, v42;
	v12 =	vadd.f32 v24, v44  }
0x141: {  	v10 =	vadd.f32 v21, v41;
	v3 =	vadd.f32 v8, v2;
	v2 =	vld [tilespmem:$0x1FEE0]  }
0x142: {  	v6 =	vadd.f32 v12, v6;
	v9 =	vadd.f32 v20, v42  }
0x143: {  	v5 =	vadd.f32 v10, v5  }
0x144: {  	v6 =	vmin.f32 v7, v6;
	v4 =	vadd.f32 v9, v4;
	v7 =	vadd.f32 v15, v46  }
0x145: {  	v5 =	vmin.f32 v6, v5  }
0x146: {  	v4 =	vmin.f32 v5, v4;
	v2 =	vadd.f32 v7, v2  }
0x147: {  	v3 =	vmin.f32 v4, v3;
	v4 =	vld [tilespmem:$0x1FEB0]  }
0x148: {  	v2 =	vmin.f32 v3, v2;
	v3 =	vld [tilespmem:$0x1FEC0]  }
0x149: {  	v1 =	vadd.f32 v1, v48  }
0x14a: {  	v0 =	vadd.f32 v13, v0  }
0x14b: {  	v1 =	vadd.f32 v11, v1  }
0x14c: {  	v0 =	vadd.f32 v0, v4  }
0x14d: {  	v1 =	vadd.f32 v1, v3  }
0x14e: {  	v0 =	vmin.f32 v2, v0  }
0x14f: {  	v0 =	vmin.f32 v0, v1  }
0x150: {  	[tilespmem:s26+$0x10280] =	vst v0  }
0x151: {  	v0 =	vld [tilespmem:$0x180];
	_ =	sdelay $0x4  }
0x152: {  	v1 =	vbroadcast v0, $0xE;
	_ =	sdelay $0x1  }
0x153: {  	[tilespmem:$0x1FEB0] =	vst v1;
	v1 =	vbroadcast v0, $0xF;
	_ =	sdelay $0x1  }
0x154: {  	[tilespmem:$0x1FEC0] =	vst v1;
	v1 =	vbroadcast v0, $0xC;
	_ =	sdelay $0x1  }
0x155: {  	[tilespmem:$0x1FED0] =	vst v1;
	v1 =	vbroadcast v0, $0xD  }
0x156: {  	v5 =	vbroadcast v0, $0xA;
	v4 =	vbroadcast v0, $0xB  }
0x157: {  	v7 =	vbroadcast v0, $0x8;
	v6 =	vbroadcast v0, $0x9;
	[tilespmem:$0x1FEE0] =	vst v1;
	v1 =	vld [tilespmem:$0x100]  }
0x158: {  	v9 =	vbroadcast v0, $0x6;
	v8 =	vbroadcast v0, $0x7  }
0x159: {  	v12 =	vbroadcast v0, $0x4;
	v10 =	vbroadcast v0, $0x5  }
0x15a: {  	v17 =	vbroadcast v0, $0x2;
	v14 =	vbroadcast v0, $0x3  }
0x15b: {  	v19 =	vbroadcast v0, $0x0;
	v18 =	vbroadcast v0, $0x1  }
0x15c: {  	v0 =	vbroadcast v1, $0xE;
	v11 =	vbroadcast v1, $0xF  }
0x15d: {  	v15 =	vbroadcast v1, $0xC;
	v20 =	vbroadcast v1, $0xD  }
0x15e: {  	s26 =	sshra.s32 s28, $0x2;
	v21 =	vbroadcast v1, $0xA;
	v24 =	vbroadcast v1, $0xB  }
0x15f: {  	v22 =	vld [tilespmem:s26+$0x8200];
	v25 =	vbroadcast v1, $0x8;
	v31 =	vbroadcast v1, $0x9  }
0x160: {  	v23 =	vbroadcast v1, $0x6;
	v27 =	vbroadcast v1, $0x7  }
0x161: {  	v28 =	vbroadcast v1, $0x4;
	v26 =	vbroadcast v1, $0x5  }
0x162: {  	v29 =	vbroadcast v1, $0x2;
	v55 =	vbroadcast v1, $0x3  }
0x163: {  	v56 =	vbroadcast v1, $0x0;
	v30 =	vbroadcast v1, $0x1  }
0x164: {  	v1 =	vld [tilespmem:$0x0];
	v13 =	vmul.f32 v0, v22;
	v11 =	vmul.f32 v11, v22  }
0x165: {  	v16 =	vmul.f32 v15, v22;
	v15 =	vmul.f32 v20, v22  }
0x166: {  	v21 =	vmul.f32 v21, v22;
	v20 =	vmul.f32 v24, v22  }
0x167: {  	v25 =	vmul.f32 v25, v22;
	v24 =	vmul.f32 v31, v22  }
0x168: {  	v32 =	vmul.f32 v56, v22;
	v31 =	vmul.f32 v55, v22  }
0x169: {  	v0 =	vbroadcast v1, $0xE;
	v33 =	vbroadcast v1, $0xF  }
0x16a: {  	v34 =	vbroadcast v1, $0xC;
	v35 =	vbroadcast v1, $0xD  }
0x16b: {  	v36 =	vbroadcast v1, $0xA;
	v37 =	vbroadcast v1, $0xB  }
0x16c: {  	v39 =	vld [tilespmem:s26+$0x200];
	v38 =	vbroadcast v1, $0x8;
	v40 =	vbroadcast v1, $0x9  }
0x16d: {  	v57 =	vbroadcast v1, $0x6;
	v58 =	vbroadcast v1, $0x7  }
0x16e: {  	v59 =	vbroadcast v1, $0x4;
	v60 =	vbroadcast v1, $0x5  }
0x16f: {  	v61 =	vbroadcast v1, $0x2;
	v62 =	vbroadcast v1, $0x3  }
0x170: {  	v63 =	vbroadcast v1, $0x0;
	v1 =	vbroadcast v1, $0x1  }
0x171: {  	v47 =	vmul.f32 v0, v39;
	v48 =	vmul.f32 v33, v39  }
0x172: {  	v45 =	vmul.f32 v34, v39;
	v46 =	vmul.f32 v35, v39  }
0x173: {  	v41 =	vmul.f32 v36, v39;
	v42 =	vmul.f32 v37, v39  }
0x174: {  	v0 =	vld [tilespmem:$0x80];
	v43 =	vmul.f32 v38, v39;
	v44 =	vmul.f32 v40, v39  }
0x175: {  	v40 =	vmul.f32 v57, v39;
	v37 =	vmul.f32 v58, v39  }
0x176: {  	v35 =	vmul.f32 v59, v39;
	v36 =	vmul.f32 v60, v39  }
0x177: {  	v34 =	vmul.f32 v61, v39;
	v33 =	vmul.f32 v62, v39  }
0x178: {  	v38 =	vmul.f32 v63, v39;
	v39 =	vmul.f32 v1, v39  }
0x179: {  	v1 =	vbroadcast v0, $0xE;
	v60 =	vbroadcast v0, $0xF  }
0x17a: {  	v61 =	vbroadcast v0, $0xC;
	v63 =	vbroadcast v0, $0xD  }
0x17b: {  	v2 =	vbroadcast v0, $0xA;
	v3 =	vbroadcast v0, $0xB  }
0x17c: {  	v49 =	vld [tilespmem:s26+$0x4200];
	v58 =	vbroadcast v0, $0x8;
	v59 =	vbroadcast v0, $0x9  }
0x17d: {  	v57 =	vbroadcast v0, $0x6;
	v55 =	vbroadcast v0, $0x7  }
0x17e: {  	p0 =	sne.s32 s28, $0xFFC0;
	v53 =	vbroadcast v0, $0x4;
	v56 =	vbroadcast v0, $0x5  }
.Ltmp1:
0x17f: {  	v50 =	vbroadcast v0, $0x2;
	v51 =	vbroadcast v0, $0x3;
	(pc) =	sbr.rel @p0 .LBB2_4-.Ltmp1, $4  }
0x180: {  	v54 =	vbroadcast v0, $0x0;
	v52 =	vbroadcast v0, $0x1  }
0x181: {  	v0 =	vmul.f32 v1, v49;
	v1 =	vmul.f32 v60, v49  }
0x182: {  	v62 =	vmul.f32 v61, v49;
	v63 =	vmul.f32 v63, v49  }
0x183: {  	s28 =	sadd.s32 $0x40, s28;
	v60 =	vmul.f32 v2, v49;
	v61 =	vmul.f32 v3, v49  }
0x184: {  	v1 =	vadd.f32 v1, v48  }
0x185: {  	v3 =	vadd.f32 v63, v46;
	v63 =	vmul.f32 v58, v49;
	v48 =	vmul.f32 v59, v49  }
0x186: {  	v0 =	vadd.f32 v0, v47;
	v58 =	vmul.f32 v57, v49;
	v59 =	vmul.f32 v55, v49  }
0x187: {  	v2 =	vadd.f32 v62, v45;
	v62 =	vmul.f32 v54, v49;
	v50 =	vmul.f32 v50, v49  }
0x188: {  	v51 =	vmul.f32 v51, v49;
	v41 =	vadd.f32 v60, v41;
	v42 =	vadd.f32 v61, v42  }
0x189: {  	v60 =	vmul.f32 v56, v49;
	v43 =	vadd.f32 v63, v43;
	v44 =	vadd.f32 v48, v44  }
0x18a: {  	v40 =	vadd.f32 v58, v40;
	v37 =	vadd.f32 v59, v37;
	v63 =	vmul.f32 v52, v49  }
0x18b: {  	v61 =	vmul.f32 v53, v49;
	v38 =	vadd.f32 v62, v38;
	v34 =	vadd.f32 v50, v34  }
0x18c: {  	v30 =	vmul.f32 v30, v22;
	v33 =	vadd.f32 v51, v33;
	v39 =	vadd.f32 v63, v39  }
0x18d: {  	v29 =	vmul.f32 v29, v22;
	v35 =	vadd.f32 v61, v35;
	v36 =	vadd.f32 v60, v36  }
0x18e: {  	v28 =	vmul.f32 v28, v22;
	v32 =	vadd.f32 v32, v38;
	v30 =	vadd.f32 v30, v39  }
0x18f: {  	v26 =	vmul.f32 v26, v22;
	v29 =	vadd.f32 v29, v34;
	v31 =	vadd.f32 v31, v33  }
0x190: {  	v27 =	vmul.f32 v27, v22;
	v19 =	vadd.f32 v32, v19;
	v18 =	vadd.f32 v30, v18  }
0x191: {  	v52 =	vmul.f32 v23, v22;
	v28 =	vadd.f32 v28, v35;
	v17 =	vadd.f32 v29, v17  }
0x192: {  	v53 =	vadd.f32 v26, v36;
	v14 =	vadd.f32 v31, v14;
	v18 =	vmin.f32 v19, v18  }
0x193: {  	v54 =	vadd.f32 v52, v40;
	v12 =	vadd.f32 v28, v12;
	v17 =	vmin.f32 v18, v17  }
0x194: {  	v55 =	vadd.f32 v27, v37;
	v10 =	vadd.f32 v53, v10;
	v14 =	vmin.f32 v17, v14  }
0x195: {  	v56 =	vadd.f32 v25, v43;
	v9 =	vadd.f32 v54, v9;
	v12 =	vmin.f32 v14, v12  }
0x196: {  	v60 =	vld [tilespmem:$0x1FED0];
	v57 =	vadd.f32 v24, v44;
	v8 =	vadd.f32 v55, v8;
	v10 =	vmin.f32 v12, v10  }
0x197: {  	v58 =	vadd.f32 v21, v41;
	v61 =	vld [tilespmem:$0x1FEE0];
	v7 =	vadd.f32 v56, v7;
	v9 =	vmin.f32 v10, v9  }
0x198: {  	v62 =	vld [tilespmem:$0x1FEB0];
	v59 =	vadd.f32 v20, v42;
	v6 =	vadd.f32 v57, v6;
	v8 =	vmin.f32 v9, v8  }
0x199: {  	v2 =	vadd.f32 v16, v2;
	v63 =	vld [tilespmem:$0x1FEC0];
	v5 =	vadd.f32 v58, v5;
	v7 =	vmin.f32 v8, v7  }
0x19a: {  	v3 =	vadd.f32 v15, v3;
	v4 =	vadd.f32 v59, v4;
	v6 =	vmin.f32 v7, v6  }
0x19b: {  	v0 =	vadd.f32 v13, v0;
	v2 =	vadd.f32 v2, v60;
	v5 =	vmin.f32 v6, v5  }
0x19c: {  	v1 =	vadd.f32 v11, v1;
	v3 =	vadd.f32 v3, v61;
	v4 =	vmin.f32 v5, v4  }
0x19d: {  	v0 =	vadd.f32 v0, v62;
	v2 =	vmin.f32 v4, v2  }
0x19e: {  	v1 =	vadd.f32 v1, v63;
	v2 =	vmin.f32 v2, v3  }
0x19f: {  	s25 =	sadd.s32 $0x1, s25;
	v0 =	vmin.f32 v2, v0  }
0x1a0: {  	p0 =	sne.s32 s25, s13;
	v0 =	vmin.f32 v0, v1  }
.Ltmp2:
0x1a1: {  	[tilespmem:s26+$0x10280] =	vst v0;
	(pc) =	sbr.rel @p0 .LBB2_1-.Ltmp2, $4  }
0x1a2: {  	[hbm4b:s12+s15] =	stream.strided.scatter [tilespmem:s24], [sflag:$0x1], $0x4000, s23, s15, $0x38;
	[tilespmem:$0x14280] =	vst v63  }
0x1a3: {  	_ =	swait.ge [sflag:s14], $0x4000  }
0x1a4: {  	[sflag:s14] =	ssyncset.done $0x0  }
0x1a5: {  	[sflag:s14] =	ssyncadd.s32 $0xFFFFC000  }
0x1a6: {  	_ =	sfence.sel $0x180000  }
0x1a7: {  	[bflag:$0x0] =	sbarrier.arrive $0xFFFF  }
0x1a8: {  	p0 =	sne.s32 s0, $0x0;
	_ =	strace $0x90000047  }
0x1a9: {  	s0 =	sadd.s32 @!p0 $0x100000, s1;
	[bflag:$0x2] =	sbarrier.arrive $0xFFFF  }
0x1aa: {  	[sflag:s0] =	ssyncadd.tile.s32 @!p0 $0x1;
	_ =	shalt  }
.Lfunc_end2:
_tile_overlayer_lowered:
.L_overlay_start_2:
0x1ab: {  	(tag) =	ssettag $0x2  }
0x1ac: {  	s0 =	rddreg [dreg:$0x0];
	s2 =	stileid.u32  }
0x1ad: {  	s1 =	rddreg [dreg:$0x1];
	p0 =	sne.s32 s2, $0x0  }
0x1ae: {  	s3 =	rddreg [dreg:$0x2];
	[bflag:$0x3] =	sbarrier.arrive $0xFFFF;
	s2 =	simm.s32 @!p0 $0x1C01  }
0x1af: {  	[timem:s3], [sflag:s2] =	dma.local @!p0 [hbm:s0], s1  }
0x1b0: {  	s0 =	simm.s32 @!p0 $0x1  }
0x1b1: {  	_ =	swait.ge @!p0 [sflag:s0], s1  }
0x1b2: {  	s1 =	ssub.s32 @!p0 $0x0, s1;
	[sflag:s0] =	ssyncset.done @!p0 $0x0  }
0x1b3: {  	[sflag:s0] =	ssyncadd.s32 @!p0 s1  }
0x1b4: {  	[bflag:$0x3] =	sbarrier.arrive $0xFFFF  }
0x1b5: {  	_ =	shalt  }

</sc_bundles>
